<compile_context>
chip_gen: v7x
topology: tpu7x:2x2x1
jax: 0.10.2.dev20260603
libtpu: 0.0.44.dev20260713+nightly
codegen_flags: <defaults>
</compile_context>

<pallas_src>
import jax
import jax.numpy as jnp
from jax import lax
from jax.experimental import pallas as pl
from jax.experimental.pallas import tpu as pltpu
from jax.experimental.pallas import tpu_sc as plsc

N_REL = 200000
N_OBJ = 20000
R_CLS = 51
O_CLS = 151
PACK_W = 128

SC_NC = 2
SC_NS = 16
SC_NW = SC_NC * SC_NS

REL_PAD = 200704
PER_W = REL_PAD // SC_NW
CH = 128
NCH = PER_W // CH
NCH_P = 56
G_CH = 128
G_NCH = PER_W // G_CH
G_NCH_P = 56

SORT_N = 262144
SORT_R = 2048
SORT_C = 128


def _xla_row_sum(e, P):
    del P
    n = e.shape[1]
    nstrip = (n + 7) // 8
    E = jnp.concatenate(
        [e, jnp.zeros((e.shape[0], 8 * nstrip - n), jnp.float32)], axis=1
    )
    eT = E.T
    A = eT[0:8]
    for v in range(1, nstrip):
        A = A + eT[8 * v : 8 * v + 8]
    B = A[0:4] + A[4:8]
    C = B[0:2] + B[2:4]
    D = C[0:1] + C[1:2]
    return D.T


def _obj_body(logits_ref, prob_ref, scores_ref, pred_ref):
    x = logits_ref[...]
    m = jnp.max(x, axis=1, keepdims=True)
    e = jnp.exp(x - m)
    z = _xla_row_sum(e, 256)
    p = e / z
    pfg = p[:, : O_CLS - 1]
    s = jnp.max(pfg, axis=1)
    col = lax.broadcasted_iota(jnp.int32, pfg.shape, 1)
    pred = jnp.min(jnp.where(pfg >= s[:, None], col, jnp.int32(2**30)), axis=1)
    prob_ref[:, : O_CLS - 1] = pfg
    prob_ref[:, O_CLS - 1 :] = jnp.zeros((x.shape[0], 1), jnp.float32)
    scores_ref[...] = s
    pred_ref[...] = pred


def _obj_call(obj_logits):
    blk = 2048
    grid = (N_OBJ + blk - 1) // blk
    return pl.pallas_call(
        _obj_body,
        grid=(grid,),
        in_specs=[pl.BlockSpec((blk, O_CLS), lambda i: (i, 0))],
        out_specs=[
            pl.BlockSpec((blk, O_CLS), lambda i: (i, 0)),
            pl.BlockSpec((blk,), lambda i: (i,)),
            pl.BlockSpec((blk,), lambda i: (i,)),
        ],
        out_shape=[
            jax.ShapeDtypeStruct((N_OBJ, O_CLS), jnp.float32),
            jax.ShapeDtypeStruct((N_OBJ,), jnp.float32),
            jax.ShapeDtypeStruct((N_OBJ,), jnp.int32),
        ],
    )(obj_logits)


def _rel_body(logits_ref, pairs_ref, packed_ref, scores_ref, cls_ref,
              i0_ref, i1_ref):
    x = logits_ref[...]
    rows = x.shape[0]
    m = jnp.max(x, axis=1, keepdims=True)
    e = jnp.exp(x - m)
    z = _xla_row_sum(e, 128)
    p = e / z
    i0 = pairs_ref[:, 0:1]
    i1 = pairs_ref[:, 1:2]
    packed_ref[:, :R_CLS] = p
    packed_ref[:, R_CLS : R_CLS + 1] = lax.bitcast_convert_type(i0, jnp.float32)
    packed_ref[:, R_CLS + 1 : R_CLS + 2] = lax.bitcast_convert_type(
        i1, jnp.float32
    )
    packed_ref[:, R_CLS + 2 :] = jnp.zeros(
        (rows, PACK_W - R_CLS - 2), jnp.float32
    )
    pfg = p[:, : R_CLS - 1]
    smax = jnp.max(pfg, axis=1, keepdims=True)
    scores_ref[...] = smax[:, 0]
    col = lax.broadcasted_iota(jnp.int32, pfg.shape, 1)
    cls_ref[...] = jnp.min(jnp.where(pfg >= smax, col, jnp.int32(2**30)), axis=1)
    i0_ref[...] = i0[:, 0]
    i1_ref[...] = i1[:, 0]


def _rel_call(rel_logits, rel_pair_idx):
    blk = 2048
    grid = (N_REL + blk - 1) // blk
    return pl.pallas_call(
        _rel_body,
        grid=(grid,),
        in_specs=[
            pl.BlockSpec((blk, R_CLS), lambda i: (i, 0)),
            pl.BlockSpec((blk, 2), lambda i: (i, 0)),
        ],
        out_specs=[
            pl.BlockSpec((blk, PACK_W), lambda i: (i, 0)),
            pl.BlockSpec((blk,), lambda i: (i,)),
            pl.BlockSpec((blk,), lambda i: (i,)),
            pl.BlockSpec((blk,), lambda i: (i,)),
            pl.BlockSpec((blk,), lambda i: (i,)),
        ],
        out_shape=[
            jax.ShapeDtypeStruct((N_REL, PACK_W), jnp.float32),
            jax.ShapeDtypeStruct((N_REL,), jnp.float32),
            jax.ShapeDtypeStruct((N_REL,), jnp.int32),
            jax.ShapeDtypeStruct((N_REL,), jnp.int32),
            jax.ShapeDtypeStruct((N_REL,), jnp.int32),
        ],
    )(rel_logits, rel_pair_idx)


def _triple_body(i0_hbm, i1_hbm, s_hbm, obj_hbm, out_hbm,
                 i0v, i1v, sbuf, s0b, s1b, tbuf, sem0, sem1):
    w = lax.axis_index("s") * SC_NC + lax.axis_index("c")
    base = w * PER_W
    pltpu.sync_copy(i0_hbm.at[pl.ds(w * NCH_P, NCH_P)], i0v)
    pltpu.sync_copy(i1_hbm.at[pl.ds(w * NCH_P, NCH_P)], i1v)
    pltpu.sync_copy(s_hbm.at[pl.ds(base, PER_W)], sbuf)

    def step(c, _):
        d0 = pltpu.async_copy(obj_hbm.at[i0v.at[c]], s0b, sem0)
        d1 = pltpu.async_copy(obj_hbm.at[i1v.at[c]], s1b, sem1)
        d0.wait()
        d1.wait()

        def vstep(v, _):
            o = c * CH + v * 16
            tbuf[pl.ds(o, 16)] = (
                sbuf[pl.ds(o, 16)]
                * s0b[pl.ds(v * 16, 16)]
                * s1b[pl.ds(v * 16, 16)]
            )
            return 0

        lax.fori_loop(0, CH // 16, vstep, 0)
        return 0

    lax.fori_loop(0, NCH, step, 0)
    pltpu.sync_copy(tbuf, out_hbm.at[pl.ds(base, PER_W)])


def _triple_call(obj_scores, rel_scores_p, i0r, i1r):
    mesh = plsc.VectorSubcoreMesh(
        core_axis_name="c", subcore_axis_name="s",
        num_cores=SC_NC, num_subcores=SC_NS,
    )
    fn = pl.kernel(
        _triple_body,
        out_type=jax.ShapeDtypeStruct((REL_PAD,), jnp.float32),
        mesh=mesh,
        scratch_types=[
            pltpu.VMEM((NCH_P, CH), jnp.int32),
            pltpu.VMEM((NCH_P, CH), jnp.int32),
            pltpu.VMEM((PER_W,), jnp.float32),
            pltpu.VMEM((CH,), jnp.float32),
            pltpu.VMEM((CH,), jnp.float32),
            pltpu.VMEM((PER_W,), jnp.float32),
            pltpu.SemaphoreType.DMA,
            pltpu.SemaphoreType.DMA,
        ],
    )
    return fn(i0r, i1r, rel_scores_p, obj_scores)


def _make_sort_tables():
    js, ks = [], []
    k = 2
    while k <= SORT_N:
        j = k // 2
        while j > 0:
            js.append(j)
            ks.append(k)
            j //= 2
        k *= 2
    return js, ks


def _sort_body(jt_ref, kt_ref, keys_any, out_any, ks, isc, ia, sem):
    p = pl.program_id(0)
    npass = pl.num_programs(0)

    @pl.when(p == 0)
    def _init():
        pltpu.make_async_copy(keys_any, ks, sem).start()
        ia[...] = (
            lax.broadcasted_iota(jnp.int32, (SORT_R, SORT_C), 0) * SORT_C
            + lax.broadcasted_iota(jnp.int32, (SORT_R, SORT_C), 1)
        )
        pltpu.make_async_copy(keys_any, ks, sem).wait()
        isc[...] = ia[...]

    j = jt_ref[p]
    k = kt_ref[p]
    kv = ks[...]
    iv = isc[...]
    iav = ia[...]
    low = (iav & j) == 0
    asc = (iav & k) == 0

    def lane_case(_):
        kp = jnp.where(
            low,
            pltpu.roll(kv, SORT_C - j, axis=1),
            pltpu.roll(kv, j, axis=1),
        )
        ip = jnp.where(
            low,
            pltpu.roll(iv, SORT_C - j, axis=1),
            pltpu.roll(iv, j, axis=1),
        )
        return kp, ip

    def row_case(_):
        jr = j // SORT_C
        kp = jnp.where(
            low,
            pltpu.roll(kv, SORT_R - jr, axis=0),
            pltpu.roll(kv, jr, axis=0),
        )
        ip = jnp.where(
            low,
            pltpu.roll(iv, SORT_R - jr, axis=0),
            pltpu.roll(iv, jr, axis=0),
        )
        return kp, ip

    kp, ip = lax.cond(j < SORT_C, lane_case, row_case, operand=None)

    prec = (kv > kp) | ((kv == kp) & (iv < ip))
    wantmin = low == asc
    take = prec == wantmin
    ks[...] = jnp.where(take, kv, kp)
    isc[...] = jnp.where(take, iv, ip)

    @pl.when(p == npass - 1)
    def _fin():
        pltpu.make_async_copy(isc, out_any, sem).start()
        pltpu.make_async_copy(isc, out_any, sem).wait()


def _sort_call(keys_i2d):
    js, ks = _make_sort_tables()
    npass = len(js)
    jt = jnp.asarray(js, dtype=jnp.int32)
    kt = jnp.asarray(ks, dtype=jnp.int32)
    return pl.pallas_call(
        _sort_body,
        grid=(npass,),
        in_specs=[
            pl.BlockSpec(memory_space=pltpu.SMEM),
            pl.BlockSpec(memory_space=pltpu.SMEM),
            pl.BlockSpec(memory_space=pl.ANY),
        ],
        out_specs=pl.BlockSpec(memory_space=pl.ANY),
        out_shape=jax.ShapeDtypeStruct((SORT_R, SORT_C), jnp.int32),
        scratch_shapes=[
            pltpu.VMEM((SORT_R, SORT_C), jnp.int32),
            pltpu.VMEM((SORT_R, SORT_C), jnp.int32),
            pltpu.VMEM((SORT_R, SORT_C), jnp.int32),
            pltpu.SemaphoreType.DMA,
        ],
        compiler_params=pltpu.CompilerParams(
            dimension_semantics=("arbitrary",),
        ),
    )(jt, kt, keys_i2d)


def _gather_body(sidx_hbm, packed_hbm, cls_hbm, packed_out, cls_out,
                 idxv, rowb, labb, sem0, sem1):
    w = lax.axis_index("s") * SC_NC + lax.axis_index("c")

    pltpu.sync_copy(sidx_hbm.at[pl.ds(w * G_NCH_P, G_NCH_P)], idxv)

    def step(c, _):
        ix = idxv.at[c]
        d0 = pltpu.async_copy(packed_hbm.at[ix], rowb, sem0)
        d1 = pltpu.async_copy(cls_hbm.at[ix], labb, sem1)
        d0.wait()
        d1.wait()
        o = w * PER_W + c * G_CH
        pltpu.sync_copy(rowb, packed_out.at[pl.ds(o, G_CH)])
        pltpu.sync_copy(labb, cls_out.at[pl.ds(o, G_CH)])
        return 0

    lax.fori_loop(0, G_NCH, step, 0)


def _gather_call(sidx2d, packed, rel_class):
    mesh = plsc.VectorSubcoreMesh(
        core_axis_name="c", subcore_axis_name="s",
        num_cores=SC_NC, num_subcores=SC_NS,
    )
    fn = pl.kernel(
        _gather_body,
        out_type=[
            jax.ShapeDtypeStruct((REL_PAD, PACK_W), jnp.float32),
            jax.ShapeDtypeStruct((REL_PAD,), jnp.int32),
        ],
        mesh=mesh,
        scratch_types=[
            pltpu.VMEM((G_NCH_P, G_CH), jnp.int32),
            pltpu.VMEM((G_CH, PACK_W), jnp.float32),
            pltpu.VMEM((G_CH,), jnp.int32),
            pltpu.SemaphoreType.DMA,
            pltpu.SemaphoreType.DMA,
        ],
    )
    return fn(sidx2d, packed, rel_class)


def _unpack_body(packed_ref, prob_ref, pairs_ref):
    blkrow = packed_ref[...]
    prob_ref[...] = blkrow[:, :R_CLS]
    pairs_ref[...] = lax.bitcast_convert_type(
        blkrow[:, R_CLS : R_CLS + 2], jnp.int32
    )


def _unpack_call(packed_s):
    blk = 4096
    grid = REL_PAD // blk
    return pl.pallas_call(
        _unpack_body,
        grid=(grid,),
        in_specs=[pl.BlockSpec((blk, PACK_W), lambda i: (i, 0))],
        out_specs=[
            pl.BlockSpec((blk, R_CLS), lambda i: (i, 0)),
            pl.BlockSpec((blk, 2), lambda i: (i, 0)),
        ],
        out_shape=[
            jax.ShapeDtypeStruct((N_REL, R_CLS), jnp.float32),
            jax.ShapeDtypeStruct((N_REL, 2), jnp.int32),
        ],
    )(packed_s)


def kernel(rel_logits, obj_logits, rel_pair_idx, box, img_size):
    obj_class_prob, obj_scores, obj_pred = _obj_call(obj_logits)
    packed, rel_scores, rel_class, i0, i1 = _rel_call(rel_logits, rel_pair_idx)

    pad = REL_PAD - N_REL
    rel_scores_p = jnp.pad(rel_scores, (0, pad))
    def _chunk_rows(x, nch, nch_p, ch):
        x = x.reshape(SC_NW, nch * ch)
        x = jnp.pad(x, ((0, 0), (0, (nch_p - nch) * ch)))
        return x.reshape(SC_NW * nch_p, ch)

    i0r = _chunk_rows(jnp.pad(i0, (0, pad)), NCH, NCH_P, CH)
    i1r = _chunk_rows(jnp.pad(i1, (0, pad)), NCH, NCH_P, CH)
    triple_p = _triple_call(obj_scores, rel_scores_p, i0r, i1r)

    keys = jnp.pad(triple_p, (0, SORT_N - REL_PAD))
    keys_i2d = lax.bitcast_convert_type(keys, jnp.int32).reshape(
        SORT_R, SORT_C
    )
    sidx = _sort_call(keys_i2d).reshape(-1)[:N_REL]
    sidx2d = _chunk_rows(jnp.pad(sidx, (0, pad)), G_NCH, G_NCH_P, G_CH)

    packed_s, labels_p = _gather_call(sidx2d, packed, rel_class)
    rel_prob_s, pairs_s = _unpack_call(packed_s)
    labels_s = labels_p[:N_REL]

    return (box, obj_pred, obj_scores, obj_class_prob,
            pairs_s, rel_prob_s, labels_s)

# --- scband reference (transcript-rebuilt; emitter-appended) ---
"""Pipeline reference for scband-post-processor-9259949490896 (READ-ONLY COPY).

The authoritative reference and input builder live on the scoring server;
editing this copy changes nothing except your own understanding.
"""

import jax, jax.numpy as jnp
import numpy as np

NUM_REL = 200000
NUM_OBJ = 20000
NUM_REL_CLS = 51
NUM_OBJ_CLS = 151


def setup_inputs(seed: int = 0) -> dict:
    key = jax.random.key(seed)
    k1, k2, k3, k4 = jax.random.split(key, 4)
    rel_logits = jax.random.normal(k1, (NUM_REL, NUM_REL_CLS), dtype=jnp.float32)
    obj_logits = jax.random.normal(k2, (NUM_OBJ, NUM_OBJ_CLS), dtype=jnp.float32)
    rel_pair_idx = jax.random.randint(k3, (NUM_REL, 2), 0, NUM_OBJ, dtype=jnp.int32)
    box = jax.random.uniform(k4, (NUM_OBJ, 4), dtype=jnp.float32)
    img_size = jnp.array([800, 1024], dtype=jnp.int32)
    return {"rel_logits": rel_logits, "obj_logits": obj_logits, "rel_pair_idx": rel_pair_idx, "box": box, "img_size": img_size}


def reference(rel_logits, obj_logits, rel_pair_idx, box, img_size):
    # use_gt_box=True branch of PostProcessor.forward, single image
    obj_class_prob = jax.nn.softmax(obj_logits, axis=-1)
    obj_class_prob = obj_class_prob.at[:, -1].set(0.0)
    # obj_scores, obj_pred = obj_class_prob[:, :-1].max(dim=1)
    obj_scores = jnp.max(obj_class_prob[:, :-1], axis=1)
    obj_pred = jnp.argmax(obj_class_prob[:, :-1], axis=1)
    # gather per-relation subject / object scores
    obj_scores0 = jnp.take(obj_scores, rel_pair_idx[:, 0], axis=0)
    obj_scores1 = jnp.take(obj_scores, rel_pair_idx[:, 1], axis=0)
    rel_class_prob = jax.nn.softmax(rel_logits, axis=-1)
    # argmax_over_all_logits_and_filter_afterwards=False -> drop last (background) class
    rel_scores = jnp.max(rel_class_prob[:, :-1], axis=1)
    rel_class = jnp.argmax(rel_class_prob[:, :-1], axis=1)
    triple_scores = rel_scores * obj_scores0 * obj_scores1
    # descending sort
    sorting_idx = jnp.argsort(-triple_scores.reshape(-1))
    rel_pair_idx_sorted = jnp.take(rel_pair_idx, sorting_idx, axis=0)
    rel_class_prob_sorted = jnp.take(rel_class_prob, sorting_idx, axis=0)
    rel_labels_sorted = jnp.take(rel_class, sorting_idx, axis=0)
    # result fields: pred_boxes, pred_classes, scores, pred_class_prob,
    # _rel_pair_idxs, _pred_rel_scores, _pred_rel_labels
    return (box, obj_pred, obj_scores, obj_class_prob, rel_pair_idx_sorted, rel_class_prob_sorted, rel_labels_sorted)

if __name__ == "__main__":
    import jax
    _d = setup_inputs()
    print(jax.jit(kernel)(*tuple(_d.values())))

</pallas_src>

<mosaic_0001>
#map = affine_map<(d0, d1) -> (0, 0)>
#map1 = affine_map<(d0, d1) -> (0)>
module attributes {stable_mosaic.version = 14 : i64} {
  func.func @_triple_body(%arg0: i32, %arg1: i32, %arg2: memref<1792x128xi32, #tpu.memory_space<hbm>>, %arg3: memref<1792x128xi32, #tpu.memory_space<hbm>>, %arg4: memref<200704xf32, #tpu.memory_space<hbm>>, %arg5: memref<20000xf32, #tpu.memory_space<hbm>>, %arg6: memref<200704xf32, #tpu.memory_space<hbm>>, %arg7: memref<56x128xi32, #tpu.memory_space<vmem>>, %arg8: memref<56x128xi32, #tpu.memory_space<vmem>>, %arg9: memref<6272xf32, #tpu.memory_space<vmem>>, %arg10: memref<128xf32, #tpu.memory_space<vmem>>, %arg11: memref<128xf32, #tpu.memory_space<vmem>>, %arg12: memref<6272xf32, #tpu.memory_space<vmem>>, %arg13: memref<!tpu.dma_semaphore, #tpu.memory_space<semaphore_mem>>, %arg14: memref<!tpu.dma_semaphore, #tpu.memory_space<semaphore_mem>>) attributes {dimension_semantics = [#tpu.dimension_semantics<core_parallel>, #tpu.dimension_semantics<subcore_parallel>], iteration_bounds = array<i64: 2, 16>, scalar_prefetch = 0 : i64, scratch_operands = 8 : i64, tpu.core_type = #tpu.core_type<sc_vector_subcore>, window_params = [{transform_indices = #map}, {transform_indices = #map}, {transform_indices = #map1}, {transform_indices = #map1}, {transform_indices = #map1}]} {
    %mul3A = arith.constant 2 : i32
    %mul3A_0 = arith.muli %arg1, %mul3A : i32
    %add3A = arith.addi %mul3A_0, %arg0 : i32
    %mul3A_1 = arith.constant 6272 : i32
    %mul3A_2 = arith.muli %add3A, %mul3A_1 : i32
    %mul3A_3 = arith.constant 56 : i32
    %mul3A_4 = arith.muli %add3A, %mul3A_3 : i32
    "tpu.region"() ({
      %run_scoped3A = tpu.sem_alloc : memref<!tpu.dma_semaphore, #tpu.memory_space<semaphore_mem>>
      %dma_start3A = arith.constant 0 : i32
      %dma_start3A_13 = tpu.memref_slice %arg2[%mul3A_4, %dma_start3A] : memref<1792x128xi32, #tpu.memory_space<hbm>> -> memref<56x128xi32, #tpu.memory_space<hbm>>
      %dma_start3A_14 = arith.constant 0 : i32
      %dma_start3A_15 = tpu.memref_slice %arg2[%mul3A_4, %dma_start3A_14] : memref<1792x128xi32, #tpu.memory_space<hbm>> -> memref<56x128xi32, #tpu.memory_space<hbm>>
      tpu.enqueue_dma source(%dma_start3A_15 : memref<56x128xi32, #tpu.memory_space<hbm>>) target(%arg7 : memref<56x128xi32, #tpu.memory_space<vmem>>) target_semaphore(%run_scoped3A : memref<!tpu.dma_semaphore, #tpu.memory_space<semaphore_mem>>)
      %dma_wait3A = arith.constant 0 : i32
      %dma_wait3A_16 = tpu.memref_slice %arg2[%mul3A_4, %dma_wait3A] : memref<1792x128xi32, #tpu.memory_space<hbm>> -> memref<56x128xi32, #tpu.memory_space<hbm>>
      %dma_wait3A_17 = arith.constant 0 : i32
      %dma_wait3A_18 = tpu.memref_slice %arg2[%mul3A_4, %dma_wait3A_17] : memref<1792x128xi32, #tpu.memory_space<hbm>> -> memref<56x128xi32, #tpu.memory_space<hbm>>
      tpu.wait_dma2 semaphore(%run_scoped3A : memref<!tpu.dma_semaphore, #tpu.memory_space<semaphore_mem>>) src(%dma_wait3A_18 : memref<56x128xi32, #tpu.memory_space<hbm>>) dst(%arg7 : memref<56x128xi32, #tpu.memory_space<vmem>>)
      tpu.yield
    }) : () -> ()
    %mul3A_5 = arith.constant 56 : i32
    %mul3A_6 = arith.muli %add3A, %mul3A_5 : i32
    "tpu.region"() ({
      %run_scoped3A = tpu.sem_alloc : memref<!tpu.dma_semaphore, #tpu.memory_space<semaphore_mem>>
      %dma_start3A = arith.constant 0 : i32
      %dma_start3A_13 = tpu.memref_slice %arg3[%mul3A_6, %dma_start3A] : memref<1792x128xi32, #tpu.memory_space<hbm>> -> memref<56x128xi32, #tpu.memory_space<hbm>>
      %dma_start3A_14 = arith.constant 0 : i32
      %dma_start3A_15 = tpu.memref_slice %arg3[%mul3A_6, %dma_start3A_14] : memref<1792x128xi32, #tpu.memory_space<hbm>> -> memref<56x128xi32, #tpu.memory_space<hbm>>
      tpu.enqueue_dma source(%dma_start3A_15 : memref<56x128xi32, #tpu.memory_space<hbm>>) target(%arg8 : memref<56x128xi32, #tpu.memory_space<vmem>>) target_semaphore(%run_scoped3A : memref<!tpu.dma_semaphore, #tpu.memory_space<semaphore_mem>>)
      %dma_wait3A = arith.constant 0 : i32
      %dma_wait3A_16 = tpu.memref_slice %arg3[%mul3A_6, %dma_wait3A] : memref<1792x128xi32, #tpu.memory_space<hbm>> -> memref<56x128xi32, #tpu.memory_space<hbm>>
      %dma_wait3A_17 = arith.constant 0 : i32
      %dma_wait3A_18 = tpu.memref_slice %arg3[%mul3A_6, %dma_wait3A_17] : memref<1792x128xi32, #tpu.memory_space<hbm>> -> memref<56x128xi32, #tpu.memory_space<hbm>>
      tpu.wait_dma2 semaphore(%run_scoped3A : memref<!tpu.dma_semaphore, #tpu.memory_space<semaphore_mem>>) src(%dma_wait3A_18 : memref<56x128xi32, #tpu.memory_space<hbm>>) dst(%arg8 : memref<56x128xi32, #tpu.memory_space<vmem>>)
      tpu.yield
    }) : () -> ()
    "tpu.region"() ({
      %run_scoped3A = tpu.sem_alloc : memref<!tpu.dma_semaphore, #tpu.memory_space<semaphore_mem>>
      %dma_start3A = tpu.memref_slice %arg4[%mul3A_2] : memref<200704xf32, #tpu.memory_space<hbm>> -> memref<6272xf32, #tpu.memory_space<hbm>>
      %dma_start3A_13 = tpu.memref_slice %arg4[%mul3A_2] : memref<200704xf32, #tpu.memory_space<hbm>> -> memref<6272xf32, #tpu.memory_space<hbm>>
      tpu.enqueue_dma source(%dma_start3A_13 : memref<6272xf32, #tpu.memory_space<hbm>>) target(%arg9 : memref<6272xf32, #tpu.memory_space<vmem>>) target_semaphore(%run_scoped3A : memref<!tpu.dma_semaphore, #tpu.memory_space<semaphore_mem>>)
      %dma_wait3A = tpu.memref_slice %arg4[%mul3A_2] : memref<200704xf32, #tpu.memory_space<hbm>> -> memref<6272xf32, #tpu.memory_space<hbm>>
      %dma_wait3A_14 = tpu.memref_slice %arg4[%mul3A_2] : memref<200704xf32, #tpu.memory_space<hbm>> -> memref<6272xf32, #tpu.memory_space<hbm>>
      tpu.wait_dma2 semaphore(%run_scoped3A : memref<!tpu.dma_semaphore, #tpu.memory_space<semaphore_mem>>) src(%dma_wait3A_14 : memref<6272xf32, #tpu.memory_space<hbm>>) dst(%arg9 : memref<6272xf32, #tpu.memory_space<vmem>>)
      tpu.yield
    }) : () -> ()
    %scan3A = arith.constant 0 : i32
    %scan3A_7 = arith.constant 0 : i32
    %scan3A_8 = arith.constant 49 : i32
    %scan3A_9 = arith.addi %scan3A_7, %scan3A_8 : i32
    %scan3A_10 = arith.constant 1 : i32
    %scan3A_11 = scf.for %scan3A_13 = %scan3A_7 to %scan3A_9 step %scan3A_10 iter_args(%scan3A_14 = %scan3A) -> (i32)  : i32 {
      %dma_start3A = arith.constant 0 : i32
      %dma_start3A_15 = tpu.memref_slice %arg7[%scan3A_13, %dma_start3A] : memref<56x128xi32, #tpu.memory_space<vmem>> -> memref<1x128xi32, #tpu.memory_space<vmem>>
      %dma_start3A_16 = tpu.memref_squeeze %dma_start3A_15 : memref<1x128xi32, #tpu.memory_space<vmem>> -> memref<128xi32, #tpu.memory_space<vmem>>
      %dma_start3A_17 = arith.constant 0 : i32
      %dma_start3A_18 = tpu.memref_slice %arg5[%dma_start3A_17] : memref<20000xf32, #tpu.memory_space<hbm>> -> memref<20000xf32, #tpu.memory_space<hbm>>
      tpu.enqueue_indirect_dma source(%dma_start3A_18 : memref<20000xf32, #tpu.memory_space<hbm>>) target(%arg10 : memref<128xf32, #tpu.memory_space<vmem>>) offsets(%dma_start3A_16 : memref<128xi32, #tpu.memory_space<vmem>>) semaphore(%arg13 : memref<!tpu.dma_semaphore, #tpu.memory_space<semaphore_mem>>)
      %dma_start3A_19 = arith.constant 0 : i32
      %dma_start3A_20 = tpu.memref_slice %arg8[%scan3A_13, %dma_start3A_19] : memref<56x128xi32, #tpu.memory_space<vmem>> -> memref<1x128xi32, #tpu.memory_space<vmem>>
      %dma_start3A_21 = tpu.memref_squeeze %dma_start3A_20 : memref<1x128xi32, #tpu.memory_space<vmem>> -> memref<128xi32, #tpu.memory_space<vmem>>
      %dma_start3A_22 = arith.constant 0 : i32
      %dma_start3A_23 = tpu.memref_slice %arg5[%dma_start3A_22] : memref<20000xf32, #tpu.memory_space<hbm>> -> memref<20000xf32, #tpu.memory_space<hbm>>
      tpu.enqueue_indirect_dma source(%dma_start3A_23 : memref<20000xf32, #tpu.memory_space<hbm>>) target(%arg11 : memref<128xf32, #tpu.memory_space<vmem>>) offsets(%dma_start3A_21 : memref<128xi32, #tpu.memory_space<vmem>>) semaphore(%arg14 : memref<!tpu.dma_semaphore, #tpu.memory_space<semaphore_mem>>)
      %dma_wait3A = arith.constant 0 : i32
      %dma_wait3A_24 = tpu.memref_slice %arg7[%scan3A_13, %dma_wait3A] : memref<56x128xi32, #tpu.memory_space<vmem>> -> memref<1x128xi32, #tpu.memory_space<vmem>>
      %dma_wait3A_25 = tpu.memref_squeeze %dma_wait3A_24 : memref<1x128xi32, #tpu.memory_space<vmem>> -> memref<128xi32, #tpu.memory_space<vmem>>
      %dma_wait3A_26 = arith.constant 0 : i32
      %dma_wait3A_27 = tpu.memref_slice %arg5[%dma_wait3A_26] : memref<20000xf32, #tpu.memory_space<hbm>> -> memref<20000xf32, #tpu.memory_space<hbm>>
      tpu.wait_indirect_dma semaphore(%arg13 : memref<!tpu.dma_semaphore, #tpu.memory_space<semaphore_mem>>) src(%dma_wait3A_27 : memref<20000xf32, #tpu.memory_space<hbm>>) dst(%arg10 : memref<128xf32, #tpu.memory_space<vmem>>)
      %dma_wait3A_28 = arith.constant 0 : i32
      %dma_wait3A_29 = tpu.memref_slice %arg8[%scan3A_13, %dma_wait3A_28] : memref<56x128xi32, #tpu.memory_space<vmem>> -> memref<1x128xi32, #tpu.memory_space<vmem>>
      %dma_wait3A_30 = tpu.memref_squeeze %dma_wait3A_29 : memref<1x128xi32, #tpu.memory_space<vmem>> -> memref<128xi32, #tpu.memory_space<vmem>>
      %dma_wait3A_31 = arith.constant 0 : i32
      %dma_wait3A_32 = tpu.memref_slice %arg5[%dma_wait3A_31] : memref<20000xf32, #tpu.memory_space<hbm>> -> memref<20000xf32, #tpu.memory_space<hbm>>
      tpu.wait_indirect_dma semaphore(%arg14 : memref<!tpu.dma_semaphore, #tpu.memory_space<semaphore_mem>>) src(%dma_wait3A_32 : memref<20000xf32, #tpu.memory_space<hbm>>) dst(%arg11 : memref<128xf32, #tpu.memory_space<vmem>>)
      %scan3A_33 = arith.constant 0 : i32
      %scan3A_34 = arith.constant 0 : i32
      %scan3A_35 = arith.constant 8 : i32
      %scan3A_36 = arith.addi %scan3A_34, %scan3A_35 : i32
      %scan3A_37 = arith.constant 1 : i32
      %scan3A_38 = scf.for %scan3A_41 = %scan3A_34 to %scan3A_36 step %scan3A_37 iter_args(%scan3A_42 = %scan3A_33) -> (i32)  : i32 {
        %mul3A_43 = arith.constant 128 : i32
        %mul3A_44 = arith.muli %scan3A_13, %mul3A_43 : i32
        %mul3A_45 = arith.constant 16 : i32
        %mul3A_46 = arith.muli %scan3A_41, %mul3A_45 : i32
        %add3A_47 = arith.addi %mul3A_44, %mul3A_46 : i32
        %get3A = arith.index_cast %add3A_47 : i32 to index
        %get3A_48 = tpu.vector_load %arg9[%get3A] {strides = array<i32>} : memref<6272xf32, #tpu.memory_space<vmem>>, vector<16xf32>,
        %get3A_49 = vector.shape_cast %get3A_48 : vector<16xf32> to vector<16xf32>
        %mul3A_50 = arith.constant 16 : i32
        %mul3A_51 = arith.muli %scan3A_41, %mul3A_50 : i32
        %get3A_52 = arith.index_cast %mul3A_51 : i32 to index
        %get3A_53 = tpu.vector_load %arg10[%get3A_52] {strides = array<i32>} : memref<128xf32, #tpu.memory_space<vmem>>, vector<16xf32>,
        %get3A_54 = vector.shape_cast %get3A_53 : vector<16xf32> to vector<16xf32>
        %mul3A_55 = arith.mulf %get3A_49, %get3A_54 : vector<16xf32>
        %mul3A_56 = arith.constant 16 : i32
        %mul3A_57 = arith.muli %scan3A_41, %mul3A_56 : i32
        %get3A_58 = arith.index_cast %mul3A_57 : i32 to index
        %get3A_59 = tpu.vector_load %arg11[%get3A_58] {strides = array<i32>} : memref<128xf32, #tpu.memory_space<vmem>>, vector<16xf32>,
        %get3A_60 = vector.shape_cast %get3A_59 : vector<16xf32> to vector<16xf32>
        %mul3A_61 = arith.mulf %mul3A_55, %get3A_60 : vector<16xf32>
        %swap3A = arith.index_cast %add3A_47 : i32 to index
        %swap3A_62 = tpu.vector_load %arg12[%swap3A] {strides = array<i32>} : memref<6272xf32, #tpu.memory_space<vmem>>, vector<16xf32>,
        %swap3A_63 = vector.shape_cast %swap3A_62 : vector<16xf32> to vector<16xf32>
        %swap3A_64 = vector.shape_cast %mul3A_61 : vector<16xf32> to vector<16xf32>
        tpu.vector_store %arg12[%swap3A], %swap3A_64 {strides = array<i32>} : memref<6272xf32, #tpu.memory_space<vmem>>, vector<16xf32>,
        %scan3A_65 = arith.constant 0 : i32
        scf.yield %scan3A_65 : i32
      }
      %scan3A_39 = arith.constant 8 : i32
      %scan3A_40 = arith.constant 0 : i32
      scf.yield %scan3A_40 : i32
    }
    %scan3A_12 = arith.constant 49 : i32
    "tpu.region"() ({
      %run_scoped3A = tpu.sem_alloc : memref<!tpu.dma_semaphore, #tpu.memory_space<semaphore_mem>>
      %dma_start3A = tpu.memref_slice %arg6[%mul3A_2] : memref<200704xf32, #tpu.memory_space<hbm>> -> memref<6272xf32, #tpu.memory_space<hbm>>
      %dma_start3A_13 = tpu.memref_slice %arg6[%mul3A_2] : memref<200704xf32, #tpu.memory_space<hbm>> -> memref<6272xf32, #tpu.memory_space<hbm>>
      tpu.enqueue_dma source(%arg12 : memref<6272xf32, #tpu.memory_space<vmem>>) target(%dma_start3A_13 : memref<6272xf32, #tpu.memory_space<hbm>>) target_semaphore(%run_scoped3A : memref<!tpu.dma_semaphore, #tpu.memory_space<semaphore_mem>>)
      %dma_wait3A = tpu.memref_slice %arg6[%mul3A_2] : memref<200704xf32, #tpu.memory_space<hbm>> -> memref<6272xf32, #tpu.memory_space<hbm>>
      %dma_wait3A_14 = tpu.memref_slice %arg6[%mul3A_2] : memref<200704xf32, #tpu.memory_space<hbm>> -> memref<6272xf32, #tpu.memory_space<hbm>>
      tpu.wait_dma2 semaphore(%run_scoped3A : memref<!tpu.dma_semaphore, #tpu.memory_space<semaphore_mem>>) src(%arg12 : memref<6272xf32, #tpu.memory_space<vmem>>) dst(%dma_wait3A_14 : memref<6272xf32, #tpu.memory_space<hbm>>)
      tpu.yield
    }) : () -> ()
    return
  }
}

#map = affine_map<(d0, d1) -> (0, 0)>
#map1 = affine_map<(d0, d1) -> (0)>
module attributes {stable_mosaic.version = 14 : i64} {
  func.func @_gather_body(%arg0: i32, %arg1: i32, %arg2: memref<1792x128xi32, #tpu.memory_space<hbm>>, %arg3: memref<200000x128xf32, #tpu.memory_space<hbm>>, %arg4: memref<200000xi32, #tpu.memory_space<hbm>>, %arg5: memref<200704x128xf32, #tpu.memory_space<hbm>>, %arg6: memref<200704xi32, #tpu.memory_space<hbm>>, %arg7: memref<56x128xi32, #tpu.memory_space<vmem>>, %arg8: memref<128x128xf32, #tpu.memory_space<vmem>>, %arg9: memref<128xi32, #tpu.memory_space<vmem>>, %arg10: memref<!tpu.dma_semaphore, #tpu.memory_space<semaphore_mem>>, %arg11: memref<!tpu.dma_semaphore, #tpu.memory_space<semaphore_mem>>) attributes {dimension_semantics = [#tpu.dimension_semantics<core_parallel>, #tpu.dimension_semantics<subcore_parallel>], iteration_bounds = array<i64: 2, 16>, scalar_prefetch = 0 : i64, scratch_operands = 5 : i64, tpu.core_type = #tpu.core_type<sc_vector_subcore>, window_params = [{transform_indices = #map}, {transform_indices = #map}, {transform_indices = #map1}, {transform_indices = #map}, {transform_indices = #map1}]} {
    %mul3A = arith.constant 2 : i32
    %mul3A_0 = arith.muli %arg1, %mul3A : i32
    %add3A = arith.addi %mul3A_0, %arg0 : i32
    %mul3A_1 = arith.constant 56 : i32
    %mul3A_2 = arith.muli %add3A, %mul3A_1 : i32
    "tpu.region"() ({
      %run_scoped3A = tpu.sem_alloc : memref<!tpu.dma_semaphore, #tpu.memory_space<semaphore_mem>>
      %dma_start3A = arith.constant 0 : i32
      %dma_start3A_9 = tpu.memref_slice %arg2[%mul3A_2, %dma_start3A] : memref<1792x128xi32, #tpu.memory_space<hbm>> -> memref<56x128xi32, #tpu.memory_space<hbm>>
      %dma_start3A_10 = arith.constant 0 : i32
      %dma_start3A_11 = tpu.memref_slice %arg2[%mul3A_2, %dma_start3A_10] : memref<1792x128xi32, #tpu.memory_space<hbm>> -> memref<56x128xi32, #tpu.memory_space<hbm>>
      tpu.enqueue_dma source(%dma_start3A_11 : memref<56x128xi32, #tpu.memory_space<hbm>>) target(%arg7 : memref<56x128xi32, #tpu.memory_space<vmem>>) target_semaphore(%run_scoped3A : memref<!tpu.dma_semaphore, #tpu.memory_space<semaphore_mem>>)
      %dma_wait3A = arith.constant 0 : i32
      %dma_wait3A_12 = tpu.memref_slice %arg2[%mul3A_2, %dma_wait3A] : memref<1792x128xi32, #tpu.memory_space<hbm>> -> memref<56x128xi32, #tpu.memory_space<hbm>>
      %dma_wait3A_13 = arith.constant 0 : i32
      %dma_wait3A_14 = tpu.memref_slice %arg2[%mul3A_2, %dma_wait3A_13] : memref<1792x128xi32, #tpu.memory_space<hbm>> -> memref<56x128xi32, #tpu.memory_space<hbm>>
      tpu.wait_dma2 semaphore(%run_scoped3A : memref<!tpu.dma_semaphore, #tpu.memory_space<semaphore_mem>>) src(%dma_wait3A_14 : memref<56x128xi32, #tpu.memory_space<hbm>>) dst(%arg7 : memref<56x128xi32, #tpu.memory_space<vmem>>)
      tpu.yield
    }) : () -> ()
    %scan3A = arith.constant 0 : i32
    %scan3A_3 = arith.constant 0 : i32
    %scan3A_4 = arith.constant 49 : i32
    %scan3A_5 = arith.addi %scan3A_3, %scan3A_4 : i32
    %scan3A_6 = arith.constant 1 : i32
    %scan3A_7 = scf.for %scan3A_9 = %scan3A_3 to %scan3A_5 step %scan3A_6 iter_args(%scan3A_10 = %scan3A) -> (i32)  : i32 {
      %dma_start3A = arith.constant 0 : i32
      %dma_start3A_11 = tpu.memref_slice %arg7[%scan3A_9, %dma_start3A] : memref<56x128xi32, #tpu.memory_space<vmem>> -> memref<1x128xi32, #tpu.memory_space<vmem>>
      %dma_start3A_12 = tpu.memref_squeeze %dma_start3A_11 : memref<1x128xi32, #tpu.memory_space<vmem>> -> memref<128xi32, #tpu.memory_space<vmem>>
      %dma_start3A_13 = arith.constant 0 : i32
      %dma_start3A_14 = arith.constant 0 : i32
      %dma_start3A_15 = tpu.memref_slice %arg3[%dma_start3A_13, %dma_start3A_14] : memref<200000x128xf32, #tpu.memory_space<hbm>> -> memref<200000x128xf32, #tpu.memory_space<hbm>>
      tpu.enqueue_indirect_dma source(%dma_start3A_15 : memref<200000x128xf32, #tpu.memory_space<hbm>>) target(%arg8 : memref<128x128xf32, #tpu.memory_space<vmem>>) offsets(%dma_start3A_12 : memref<128xi32, #tpu.memory_space<vmem>>) semaphore(%arg10 : memref<!tpu.dma_semaphore, #tpu.memory_space<semaphore_mem>>)
      %dma_start3A_16 = arith.constant 0 : i32
      %dma_start3A_17 = tpu.memref_slice %arg7[%scan3A_9, %dma_start3A_16] : memref<56x128xi32, #tpu.memory_space<vmem>> -> memref<1x128xi32, #tpu.memory_space<vmem>>
      %dma_start3A_18 = tpu.memref_squeeze %dma_start3A_17 : memref<1x128xi32, #tpu.memory_space<vmem>> -> memref<128xi32, #tpu.memory_space<vmem>>
      %dma_start3A_19 = arith.constant 0 : i32
      %dma_start3A_20 = tpu.memref_slice %arg4[%dma_start3A_19] : memref<200000xi32, #tpu.memory_space<hbm>> -> memref<200000xi32, #tpu.memory_space<hbm>>
      tpu.enqueue_indirect_dma source(%dma_start3A_20 : memref<200000xi32, #tpu.memory_space<hbm>>) target(%arg9 : memref<128xi32, #tpu.memory_space<vmem>>) offsets(%dma_start3A_18 : memref<128xi32, #tpu.memory_space<vmem>>) semaphore(%arg11 : memref<!tpu.dma_semaphore, #tpu.memory_space<semaphore_mem>>)
      %dma_wait3A = arith.constant 0 : i32
      %dma_wait3A_21 = tpu.memref_slice %arg7[%scan3A_9, %dma_wait3A] : memref<56x128xi32, #tpu.memory_space<vmem>> -> memref<1x128xi32, #tpu.memory_space<vmem>>
      %dma_wait3A_22 = tpu.memref_squeeze %dma_wait3A_21 : memref<1x128xi32, #tpu.memory_space<vmem>> -> memref<128xi32, #tpu.memory_space<vmem>>
      %dma_wait3A_23 = arith.constant 0 : i32
      %dma_wait3A_24 = arith.constant 0 : i32
      %dma_wait3A_25 = tpu.memref_slice %arg3[%dma_wait3A_23, %dma_wait3A_24] : memref<200000x128xf32, #tpu.memory_space<hbm>> -> memref<200000x128xf32, #tpu.memory_space<hbm>>
      tpu.wait_indirect_dma semaphore(%arg10 : memref<!tpu.dma_semaphore, #tpu.memory_space<semaphore_mem>>) src(%dma_wait3A_25 : memref<200000x128xf32, #tpu.memory_space<hbm>>) dst(%arg8 : memref<128x128xf32, #tpu.memory_space<vmem>>)
      %dma_wait3A_26 = arith.constant 0 : i32
      %dma_wait3A_27 = tpu.memref_slice %arg7[%scan3A_9, %dma_wait3A_26] : memref<56x128xi32, #tpu.memory_space<vmem>> -> memref<1x128xi32, #tpu.memory_space<vmem>>
      %dma_wait3A_28 = tpu.memref_squeeze %dma_wait3A_27 : memref<1x128xi32, #tpu.memory_space<vmem>> -> memref<128xi32, #tpu.memory_space<vmem>>
      %dma_wait3A_29 = arith.constant 0 : i32
      %dma_wait3A_30 = tpu.memref_slice %arg4[%dma_wait3A_29] : memref<200000xi32, #tpu.memory_space<hbm>> -> memref<200000xi32, #tpu.memory_space<hbm>>
      tpu.wait_indirect_dma semaphore(%arg11 : memref<!tpu.dma_semaphore, #tpu.memory_space<semaphore_mem>>) src(%dma_wait3A_30 : memref<200000xi32, #tpu.memory_space<hbm>>) dst(%arg9 : memref<128xi32, #tpu.memory_space<vmem>>)
      %mul3A_31 = arith.constant 6272 : i32
      %mul3A_32 = arith.muli %add3A, %mul3A_31 : i32
      %mul3A_33 = arith.constant 128 : i32
      %mul3A_34 = arith.muli %scan3A_9, %mul3A_33 : i32
      %add3A_35 = arith.addi %mul3A_32, %mul3A_34 : i32
      "tpu.region"() ({
        %run_scoped3A = tpu.sem_alloc : memref<!tpu.dma_semaphore, #tpu.memory_space<semaphore_mem>>
        %dma_start3A_37 = arith.constant 0 : i32
        %dma_start3A_38 = tpu.memref_slice %arg5[%add3A_35, %dma_start3A_37] : memref<200704x128xf32, #tpu.memory_space<hbm>> -> memref<128x128xf32, #tpu.memory_space<hbm>>
        %dma_start3A_39 = arith.constant 0 : i32
        %dma_start3A_40 = tpu.memref_slice %arg5[%add3A_35, %dma_start3A_39] : memref<200704x128xf32, #tpu.memory_space<hbm>> -> memref<128x128xf32, #tpu.memory_space<hbm>>
        tpu.enqueue_dma source(%arg8 : memref<128x128xf32, #tpu.memory_space<vmem>>) target(%dma_start3A_40 : memref<128x128xf32, #tpu.memory_space<hbm>>) target_semaphore(%run_scoped3A : memref<!tpu.dma_semaphore, #tpu.memory_space<semaphore_mem>>)
        %dma_wait3A_41 = arith.constant 0 : i32
        %dma_wait3A_42 = tpu.memref_slice %arg5[%add3A_35, %dma_wait3A_41] : memref<200704x128xf32, #tpu.memory_space<hbm>> -> memref<128x128xf32, #tpu.memory_space<hbm>>
        %dma_wait3A_43 = arith.constant 0 : i32
        %dma_wait3A_44 = tpu.memref_slice %arg5[%add3A_35, %dma_wait3A_43] : memref<200704x128xf32, #tpu.memory_space<hbm>> -> memref<128x128xf32, #tpu.memory_space<hbm>>
        tpu.wait_dma2 semaphore(%run_scoped3A : memref<!tpu.dma_semaphore, #tpu.memory_space<semaphore_mem>>) src(%arg8 : memref<128x128xf32, #tpu.memory_space<vmem>>) dst(%dma_wait3A_44 : memref<128x128xf32, #tpu.memory_space<hbm>>)
        tpu.yield
      }) : () -> ()
      "tpu.region"() ({
        %run_scoped3A = tpu.sem_alloc : memref<!tpu.dma_semaphore, #tpu.memory_space<semaphore_mem>>
        %dma_start3A_37 = tpu.memref_slice %arg6[%add3A_35] : memref<200704xi32, #tpu.memory_space<hbm>> -> memref<128xi32, #tpu.memory_space<hbm>>
        %dma_start3A_38 = tpu.memref_slice %arg6[%add3A_35] : memref<200704xi32, #tpu.memory_space<hbm>> -> memref<128xi32, #tpu.memory_space<hbm>>
        tpu.enqueue_dma source(%arg9 : memref<128xi32, #tpu.memory_space<vmem>>) target(%dma_start3A_38 : memref<128xi32, #tpu.memory_space<hbm>>) target_semaphore(%run_scoped3A : memref<!tpu.dma_semaphore, #tpu.memory_space<semaphore_mem>>)
        %dma_wait3A_39 = tpu.memref_slice %arg6[%add3A_35] : memref<200704xi32, #tpu.memory_space<hbm>> -> memref<128xi32, #tpu.memory_space<hbm>>
        %dma_wait3A_40 = tpu.memref_slice %arg6[%add3A_35] : memref<200704xi32, #tpu.memory_space<hbm>> -> memref<128xi32, #tpu.memory_space<hbm>>
        tpu.wait_dma2 semaphore(%run_scoped3A : memref<!tpu.dma_semaphore, #tpu.memory_space<semaphore_mem>>) src(%arg9 : memref<128xi32, #tpu.memory_space<vmem>>) dst(%dma_wait3A_40 : memref<128xi32, #tpu.memory_space<hbm>>)
        tpu.yield
      }) : () -> ()
      %scan3A_36 = arith.constant 0 : i32
      scf.yield %scan3A_36 : i32
    }
    %scan3A_8 = arith.constant 49 : i32
    return
  }
}

module attributes {stable_mosaic.version = 14 : i64} {
  func.func @_obj_body(%arg0: i32, %arg1: memref<2048x151xf32, #tpu.memory_space<vmem>>, %arg2: memref<2048x151xf32, #tpu.memory_space<vmem>>, %arg3: memref<2048xf32, #tpu.memory_space<vmem>>, %arg4: memref<2048xi32, #tpu.memory_space<vmem>>) attributes {dimension_semantics = [#tpu.dimension_semantics<arbitrary>], iteration_bounds = array<i64: 10>, scalar_prefetch = 0 : i64, scratch_operands = 0 : i64, tpu.core_type = #tpu.core_type<tc>, window_params = [{transform_indices = @transform_0, window_bounds = array<i64: 2048, 151>}, {transform_indices = @transform_1, window_bounds = array<i64: 2048, 151>}, {transform_indices = @transform_2, window_bounds = array<i64: 2048>}, {transform_indices = @transform_3, window_bounds = array<i64: 2048>}]} {
    %get3A = arith.constant 0 : index
    %get3A_0 = arith.constant 0 : index
    %get3A_1 = vector.load %arg1[%get3A, %get3A_0] : memref<2048x151xf32, #tpu.memory_space<vmem>>, vector<2048x151xf32>
    %reduce_max3A = arith.constant dense<0xFF800000> : vector<2048xf32>
    %reduce_max3A_2 = vector.multi_reduction <maximumf>, %get3A_1, %reduce_max3A [1] : vector<2048x151xf32> to vector<2048xf32>
    %broadcast_in_dim3A = vector.shape_cast %reduce_max3A_2 : vector<2048xf32> to vector<2048x1xf32>
    %sub3A = vector.broadcast %broadcast_in_dim3A : vector<2048x1xf32> to vector<2048x151xf32>
    %sub3A_3 = arith.subf %get3A_1, %sub3A : vector<2048x151xf32>
    %exp3A = math.exp %sub3A_3 : vector<2048x151xf32>
    %broadcast_in_dim3A_4 = arith.constant 0.000000e+00 : f32
    %broadcast_in_dim3A_5 = vector.broadcast %broadcast_in_dim3A_4 : f32 to vector<2048x1xf32>
    %concatenate3A = tpu.concatenate %exp3A, %broadcast_in_dim3A_5 in 1 : vector<2048x151xf32>, vector<2048x1xf32> -> vector<2048x152xf32>
    %transpose3A = tpu.transpose %concatenate3A, [1, 0] : vector<2048x152xf32> -> vector<152x2048xf32>
    %slice3A = vector.extract_strided_slice %transpose3A {offsets = [0, 0], sizes = [8, 2048], strides = [1, 1]} : vector<152x2048xf32> to vector<8x2048xf32>
    %slice3A_6 = vector.extract_strided_slice %transpose3A {offsets = [8, 0], sizes = [8, 2048], strides = [1, 1]} : vector<152x2048xf32> to vector<8x2048xf32>
    %add3A = arith.addf %slice3A, %slice3A_6 : vector<8x2048xf32>
    %slice3A_7 = vector.extract_strided_slice %transpose3A {offsets = [16, 0], sizes = [8, 2048], strides = [1, 1]} : vector<152x2048xf32> to vector<8x2048xf32>
    %add3A_8 = arith.addf %add3A, %slice3A_7 : vector<8x2048xf32>
    %slice3A_9 = vector.extract_strided_slice %transpose3A {offsets = [24, 0], sizes = [8, 2048], strides = [1, 1]} : vector<152x2048xf32> to vector<8x2048xf32>
    %add3A_10 = arith.addf %add3A_8, %slice3A_9 : vector<8x2048xf32>
    %slice3A_11 = vector.extract_strided_slice %transpose3A {offsets = [32, 0], sizes = [8, 2048], strides = [1, 1]} : vector<152x2048xf32> to vector<8x2048xf32>
    %add3A_12 = arith.addf %add3A_10, %slice3A_11 : vector<8x2048xf32>
    %slice3A_13 = vector.extract_strided_slice %transpose3A {offsets = [40, 0], sizes = [8, 2048], strides = [1, 1]} : vector<152x2048xf32> to vector<8x2048xf32>
    %add3A_14 = arith.addf %add3A_12, %slice3A_13 : vector<8x2048xf32>
    %slice3A_15 = vector.extract_strided_slice %transpose3A {offsets = [48, 0], sizes = [8, 2048], strides = [1, 1]} : vector<152x2048xf32> to vector<8x2048xf32>
    %add3A_16 = arith.addf %add3A_14, %slice3A_15 : vector<8x2048xf32>
    %slice3A_17 = vector.extract_strided_slice %transpose3A {offsets = [56, 0], sizes = [8, 2048], strides = [1, 1]} : vector<152x2048xf32> to vector<8x2048xf32>
    %add3A_18 = arith.addf %add3A_16, %slice3A_17 : vector<8x2048xf32>
    %slice3A_19 = vector.extract_strided_slice %transpose3A {offsets = [64, 0], sizes = [8, 2048], strides = [1, 1]} : vector<152x2048xf32> to vector<8x2048xf32>
    %add3A_20 = arith.addf %add3A_18, %slice3A_19 : vector<8x2048xf32>
    %slice3A_21 = vector.extract_strided_slice %transpose3A {offsets = [72, 0], sizes = [8, 2048], strides = [1, 1]} : vector<152x2048xf32> to vector<8x2048xf32>
    %add3A_22 = arith.addf %add3A_20, %slice3A_21 : vector<8x2048xf32>
    %slice3A_23 = vector.extract_strided_slice %transpose3A {offsets = [80, 0], sizes = [8, 2048], strides = [1, 1]} : vector<152x2048xf32> to vector<8x2048xf32>
    %add3A_24 = arith.addf %add3A_22, %slice3A_23 : vector<8x2048xf32>
    %slice3A_25 = vector.extract_strided_slice %transpose3A {offsets = [88, 0], sizes = [8, 2048], strides = [1, 1]} : vector<152x2048xf32> to vector<8x2048xf32>
    %add3A_26 = arith.addf %add3A_24, %slice3A_25 : vector<8x2048xf32>
    %slice3A_27 = vector.extract_strided_slice %transpose3A {offsets = [96, 0], sizes = [8, 2048], strides = [1, 1]} : vector<152x2048xf32> to vector<8x2048xf32>
    %add3A_28 = arith.addf %add3A_26, %slice3A_27 : vector<8x2048xf32>
    %slice3A_29 = vector.extract_strided_slice %transpose3A {offsets = [104, 0], sizes = [8, 2048], strides = [1, 1]} : vector<152x2048xf32> to vector<8x2048xf32>
    %add3A_30 = arith.addf %add3A_28, %slice3A_29 : vector<8x2048xf32>
    %slice3A_31 = vector.extract_strided_slice %transpose3A {offsets = [112, 0], sizes = [8, 2048], strides = [1, 1]} : vector<152x2048xf32> to vector<8x2048xf32>
    %add3A_32 = arith.addf %add3A_30, %slice3A_31 : vector<8x2048xf32>
    %slice3A_33 = vector.extract_strided_slice %transpose3A {offsets = [120, 0], sizes = [8, 2048], strides = [1, 1]} : vector<152x2048xf32> to vector<8x2048xf32>
    %add3A_34 = arith.addf %add3A_32, %slice3A_33 : vector<8x2048xf32>
    %slice3A_35 = vector.extract_strided_slice %transpose3A {offsets = [128, 0], sizes = [8, 2048], strides = [1, 1]} : vector<152x2048xf32> to vector<8x2048xf32>
    %add3A_36 = arith.addf %add3A_34, %slice3A_35 : vector<8x2048xf32>
    %slice3A_37 = vector.extract_strided_slice %transpose3A {offsets = [136, 0], sizes = [8, 2048], strides = [1, 1]} : vector<152x2048xf32> to vector<8x2048xf32>
    %add3A_38 = arith.addf %add3A_36, %slice3A_37 : vector<8x2048xf32>
    %slice3A_39 = vector.extract_strided_slice %transpose3A {offsets = [144, 0], sizes = [8, 2048], strides = [1, 1]} : vector<152x2048xf32> to vector<8x2048xf32>
    %add3A_40 = arith.addf %add3A_38, %slice3A_39 : vector<8x2048xf32>
    %slice3A_41 = vector.extract_strided_slice %add3A_40 {offsets = [0, 0], sizes = [4, 2048], strides = [1, 1]} : vector<8x2048xf32> to vector<4x2048xf32>
    %slice3A_42 = vector.extract_strided_slice %add3A_40 {offsets = [4, 0], sizes = [4, 2048], strides = [1, 1]} : vector<8x2048xf32> to vector<4x2048xf32>
    %add3A_43 = arith.addf %slice3A_41, %slice3A_42 : vector<4x2048xf32>
    %slice3A_44 = vector.extract_strided_slice %add3A_43 {offsets = [0, 0], sizes = [2, 2048], strides = [1, 1]} : vector<4x2048xf32> to vector<2x2048xf32>
    %slice3A_45 = vector.extract_strided_slice %add3A_43 {offsets = [2, 0], sizes = [2, 2048], strides = [1, 1]} : vector<4x2048xf32> to vector<2x2048xf32>
    %add3A_46 = arith.addf %slice3A_44, %slice3A_45 : vector<2x2048xf32>
    %slice3A_47 = vector.extract_strided_slice %add3A_46 {offsets = [0, 0], sizes = [1, 2048], strides = [1, 1]} : vector<2x2048xf32> to vector<1x2048xf32>
    %slice3A_48 = vector.extract_strided_slice %add3A_46 {offsets = [1, 0], sizes = [1, 2048], strides = [1, 1]} : vector<2x2048xf32> to vector<1x2048xf32>
    %add3A_49 = arith.addf %slice3A_47, %slice3A_48 : vector<1x2048xf32>
    %transpose3A_50 = tpu.transpose %add3A_49, [1, 0] : vector<1x2048xf32> -> vector<2048x1xf32>
    %div3A = vector.broadcast %transpose3A_50 : vector<2048x1xf32> to vector<2048x151xf32>
    %div3A_51 = arith.divf %exp3A, %div3A : vector<2048x151xf32>
    %slice3A_52 = vector.extract_strided_slice %div3A_51 {offsets = [0, 0], sizes = [2048, 150], strides = [1, 1]} : vector<2048x151xf32> to vector<2048x150xf32>
    %reduce_max3A_53 = arith.constant dense<0xFF800000> : vector<2048xf32>
    %reduce_max3A_54 = vector.multi_reduction <maximumf>, %slice3A_52, %reduce_max3A_53 [1] : vector<2048x150xf32> to vector<2048xf32>
    %iota3A = tpu.iota {dimensions = array<i32: 1>} : vector<2048x150xi32>
    %broadcast_in_dim3A_55 = vector.shape_cast %reduce_max3A_54 : vector<2048xf32> to vector<2048x1xf32>
    %ge3A = vector.broadcast %broadcast_in_dim3A_55 : vector<2048x1xf32> to vector<2048x150xf32>
    %ge3A_56 = arith.cmpf oge, %slice3A_52, %ge3A : vector<2048x150xf32>
    %jit3A = arith.constant 1073741824 : i32
    %broadcast_in_dim3A_57 = vector.broadcast %jit3A : i32 to vector<2048x150xi32>
    %select_n3A = arith.select %ge3A_56, %iota3A, %broadcast_in_dim3A_57 : vector<2048x150xi1>, vector<2048x150xi32>
    %reduce_min3A = arith.constant dense<2147483647> : vector<2048xi32>
    %reduce_min3A_58 = vector.multi_reduction <minsi>, %select_n3A, %reduce_min3A [1] : vector<2048x150xi32> to vector<2048xi32>
    %swap3A = arith.constant 0 : index
    %swap3A_59 = arith.constant 0 : index
    %swap3A_60 = vector.load %arg2[%swap3A, %swap3A_59] : memref<2048x151xf32, #tpu.memory_space<vmem>>, vector<2048x150xf32>
    tpu.vector_store %arg2[%swap3A, %swap3A_59], %slice3A_52 {strides = array<i32>} : memref<2048x151xf32, #tpu.memory_space<vmem>>, vector<2048x150xf32>,
    %broadcast_in_dim3A_61 = arith.constant 0.000000e+00 : f32
    %broadcast_in_dim3A_62 = vector.broadcast %broadcast_in_dim3A_61 : f32 to vector<2048x1xf32>
    %swap3A_63 = arith.constant 0 : index
    %swap3A_64 = arith.constant 150 : index
    %swap3A_65 = vector.load %arg2[%swap3A_63, %swap3A_64] : memref<2048x151xf32, #tpu.memory_space<vmem>>, vector<2048x1xf32>
    tpu.vector_store %arg2[%swap3A_63, %swap3A_64], %broadcast_in_dim3A_62 {strides = array<i32>} : memref<2048x151xf32, #tpu.memory_space<vmem>>, vector<2048x1xf32>,
    %swap3A_66 = arith.constant 0 : index
    %swap3A_67 = vector.load %arg3[%swap3A_66] : memref<2048xf32, #tpu.memory_space<vmem>>, vector<2048xf32>
    tpu.vector_store %arg3[%swap3A_66], %reduce_max3A_54 {strides = array<i32>} : memref<2048xf32, #tpu.memory_space<vmem>>, vector<2048xf32>,
    %swap3A_68 = arith.constant 0 : index
    %swap3A_69 = vector.load %arg4[%swap3A_68] : memref<2048xi32, #tpu.memory_space<vmem>>, vector<2048xi32>
    tpu.vector_store %arg4[%swap3A_68], %reduce_min3A_58 {strides = array<i32>} : memref<2048xi32, #tpu.memory_space<vmem>>, vector<2048xi32>,
    return
  }
  func.func @transform_0(%arg0: i32) -> (i32, i32) {
    %c0_i32 = arith.constant 0 : i32
    %c0_i32_0 = arith.constant 0 : i32
    return %arg0, %c0_i32 : i32, i32
  }
  func.func @transform_1(%arg0: i32) -> (i32, i32) {
    %c0_i32 = arith.constant 0 : i32
    %c0_i32_0 = arith.constant 0 : i32
    return %arg0, %c0_i32 : i32, i32
  }
  func.func @transform_2(%arg0: i32) -> i32 {
    %c0_i32 = arith.constant 0 : i32
    return %arg0 : i32
  }
  func.func @transform_3(%arg0: i32) -> i32 {
    %c0_i32 = arith.constant 0 : i32
    return %arg0 : i32
  }
}

module attributes {stable_mosaic.version = 14 : i64} {
  func.func @_rel_body(%arg0: i32, %arg1: memref<2048x51xf32, #tpu.memory_space<vmem>>, %arg2: memref<2048x2xi32, #tpu.memory_space<vmem>>, %arg3: memref<2048x128xf32, #tpu.memory_space<vmem>>, %arg4: memref<2048xf32, #tpu.memory_space<vmem>>, %arg5: memref<2048xi32, #tpu.memory_space<vmem>>, %arg6: memref<2048xi32, #tpu.memory_space<vmem>>, %arg7: memref<2048xi32, #tpu.memory_space<vmem>>) attributes {dimension_semantics = [#tpu.dimension_semantics<arbitrary>], iteration_bounds = array<i64: 98>, scalar_prefetch = 0 : i64, scratch_operands = 0 : i64, tpu.core_type = #tpu.core_type<tc>, window_params = [{transform_indices = @transform_0, window_bounds = array<i64: 2048, 51>}, {transform_indices = @transform_1, window_bounds = array<i64: 2048, 2>}, {transform_indices = @transform_2, window_bounds = array<i64: 2048, 128>}, {transform_indices = @transform_3, window_bounds = array<i64: 2048>}, {transform_indices = @transform_4, window_bounds = array<i64: 2048>}, {transform_indices = @transform_5, window_bounds = array<i64: 2048>}, {transform_indices = @transform_6, window_bounds = array<i64: 2048>}]} {
    %get3A = arith.constant 0 : index
    %get3A_0 = arith.constant 0 : index
    %get3A_1 = vector.load %arg1[%get3A, %get3A_0] : memref<2048x51xf32, #tpu.memory_space<vmem>>, vector<2048x51xf32>
    %reduce_max3A = arith.constant dense<0xFF800000> : vector<2048xf32>
    %reduce_max3A_2 = vector.multi_reduction <maximumf>, %get3A_1, %reduce_max3A [1] : vector<2048x51xf32> to vector<2048xf32>
    %broadcast_in_dim3A = vector.shape_cast %reduce_max3A_2 : vector<2048xf32> to vector<2048x1xf32>
    %sub3A = vector.broadcast %broadcast_in_dim3A : vector<2048x1xf32> to vector<2048x51xf32>
    %sub3A_3 = arith.subf %get3A_1, %sub3A : vector<2048x51xf32>
    %exp3A = math.exp %sub3A_3 : vector<2048x51xf32>
    %broadcast_in_dim3A_4 = arith.constant 0.000000e+00 : f32
    %broadcast_in_dim3A_5 = vector.broadcast %broadcast_in_dim3A_4 : f32 to vector<2048x5xf32>
    %concatenate3A = tpu.concatenate %exp3A, %broadcast_in_dim3A_5 in 1 : vector<2048x51xf32>, vector<2048x5xf32> -> vector<2048x56xf32>
    %transpose3A = tpu.transpose %concatenate3A, [1, 0] : vector<2048x56xf32> -> vector<56x2048xf32>
    %slice3A = vector.extract_strided_slice %transpose3A {offsets = [0, 0], sizes = [8, 2048], strides = [1, 1]} : vector<56x2048xf32> to vector<8x2048xf32>
    %slice3A_6 = vector.extract_strided_slice %transpose3A {offsets = [8, 0], sizes = [8, 2048], strides = [1, 1]} : vector<56x2048xf32> to vector<8x2048xf32>
    %add3A = arith.addf %slice3A, %slice3A_6 : vector<8x2048xf32>
    %slice3A_7 = vector.extract_strided_slice %transpose3A {offsets = [16, 0], sizes = [8, 2048], strides = [1, 1]} : vector<56x2048xf32> to vector<8x2048xf32>
    %add3A_8 = arith.addf %add3A, %slice3A_7 : vector<8x2048xf32>
    %slice3A_9 = vector.extract_strided_slice %transpose3A {offsets = [24, 0], sizes = [8, 2048], strides = [1, 1]} : vector<56x2048xf32> to vector<8x2048xf32>
    %add3A_10 = arith.addf %add3A_8, %slice3A_9 : vector<8x2048xf32>
    %slice3A_11 = vector.extract_strided_slice %transpose3A {offsets = [32, 0], sizes = [8, 2048], strides = [1, 1]} : vector<56x2048xf32> to vector<8x2048xf32>
    %add3A_12 = arith.addf %add3A_10, %slice3A_11 : vector<8x2048xf32>
    %slice3A_13 = vector.extract_strided_slice %transpose3A {offsets = [40, 0], sizes = [8, 2048], strides = [1, 1]} : vector<56x2048xf32> to vector<8x2048xf32>
    %add3A_14 = arith.addf %add3A_12, %slice3A_13 : vector<8x2048xf32>
    %slice3A_15 = vector.extract_strided_slice %transpose3A {offsets = [48, 0], sizes = [8, 2048], strides = [1, 1]} : vector<56x2048xf32> to vector<8x2048xf32>
    %add3A_16 = arith.addf %add3A_14, %slice3A_15 : vector<8x2048xf32>
    %slice3A_17 = vector.extract_strided_slice %add3A_16 {offsets = [0, 0], sizes = [4, 2048], strides = [1, 1]} : vector<8x2048xf32> to vector<4x2048xf32>
    %slice3A_18 = vector.extract_strided_slice %add3A_16 {offsets = [4, 0], sizes = [4, 2048], strides = [1, 1]} : vector<8x2048xf32> to vector<4x2048xf32>
    %add3A_19 = arith.addf %slice3A_17, %slice3A_18 : vector<4x2048xf32>
    %slice3A_20 = vector.extract_strided_slice %add3A_19 {offsets = [0, 0], sizes = [2, 2048], strides = [1, 1]} : vector<4x2048xf32> to vector<2x2048xf32>
    %slice3A_21 = vector.extract_strided_slice %add3A_19 {offsets = [2, 0], sizes = [2, 2048], strides = [1, 1]} : vector<4x2048xf32> to vector<2x2048xf32>
    %add3A_22 = arith.addf %slice3A_20, %slice3A_21 : vector<2x2048xf32>
    %slice3A_23 = vector.extract_strided_slice %add3A_22 {offsets = [0, 0], sizes = [1, 2048], strides = [1, 1]} : vector<2x2048xf32> to vector<1x2048xf32>
    %slice3A_24 = vector.extract_strided_slice %add3A_22 {offsets = [1, 0], sizes = [1, 2048], strides = [1, 1]} : vector<2x2048xf32> to vector<1x2048xf32>
    %add3A_25 = arith.addf %slice3A_23, %slice3A_24 : vector<1x2048xf32>
    %transpose3A_26 = tpu.transpose %add3A_25, [1, 0] : vector<1x2048xf32> -> vector<2048x1xf32>
    %div3A = vector.broadcast %transpose3A_26 : vector<2048x1xf32> to vector<2048x51xf32>
    %div3A_27 = arith.divf %exp3A, %div3A : vector<2048x51xf32>
    %get3A_28 = arith.constant 0 : index
    %get3A_29 = arith.constant 0 : index
    %get3A_30 = vector.load %arg2[%get3A_28, %get3A_29] : memref<2048x2xi32, #tpu.memory_space<vmem>>, vector<2048x1xi32>
    %get3A_31 = arith.constant 0 : index
    %get3A_32 = arith.constant 1 : index
    %get3A_33 = vector.load %arg2[%get3A_31, %get3A_32] : memref<2048x2xi32, #tpu.memory_space<vmem>>, vector<2048x1xi32>
    %swap3A = arith.constant 0 : index
    %swap3A_34 = arith.constant 0 : index
    %swap3A_35 = vector.load %arg3[%swap3A, %swap3A_34] : memref<2048x128xf32, #tpu.memory_space<vmem>>, vector<2048x51xf32>
    tpu.vector_store %arg3[%swap3A, %swap3A_34], %div3A_27 {strides = array<i32>} : memref<2048x128xf32, #tpu.memory_space<vmem>>, vector<2048x51xf32>,
    %bitcast_convert_type3A = tpu.bitcast %get3A_30 : vector<2048x1xi32> -> vector<2048x1xf32>
    %swap3A_36 = arith.constant 0 : index
    %swap3A_37 = arith.constant 51 : index
    %swap3A_38 = vector.load %arg3[%swap3A_36, %swap3A_37] : memref<2048x128xf32, #tpu.memory_space<vmem>>, vector<2048x1xf32>
    tpu.vector_store %arg3[%swap3A_36, %swap3A_37], %bitcast_convert_type3A {strides = array<i32>} : memref<2048x128xf32, #tpu.memory_space<vmem>>, vector<2048x1xf32>,
    %bitcast_convert_type3A_39 = tpu.bitcast %get3A_33 : vector<2048x1xi32> -> vector<2048x1xf32>
    %swap3A_40 = arith.constant 0 : index
    %swap3A_41 = arith.constant 52 : index
    %swap3A_42 = vector.load %arg3[%swap3A_40, %swap3A_41] : memref<2048x128xf32, #tpu.memory_space<vmem>>, vector<2048x1xf32>
    tpu.vector_store %arg3[%swap3A_40, %swap3A_41], %bitcast_convert_type3A_39 {strides = array<i32>} : memref<2048x128xf32, #tpu.memory_space<vmem>>, vector<2048x1xf32>,
    %broadcast_in_dim3A_43 = arith.constant 0.000000e+00 : f32
    %broadcast_in_dim3A_44 = vector.broadcast %broadcast_in_dim3A_43 : f32 to vector<2048x75xf32>
    %swap3A_45 = arith.constant 0 : index
    %swap3A_46 = arith.constant 53 : index
    %swap3A_47 = vector.load %arg3[%swap3A_45, %swap3A_46] : memref<2048x128xf32, #tpu.memory_space<vmem>>, vector<2048x75xf32>
    tpu.vector_store %arg3[%swap3A_45, %swap3A_46], %broadcast_in_dim3A_44 {strides = array<i32>} : memref<2048x128xf32, #tpu.memory_space<vmem>>, vector<2048x75xf32>,
    %slice3A_48 = vector.extract_strided_slice %div3A_27 {offsets = [0, 0], sizes = [2048, 50], strides = [1, 1]} : vector<2048x51xf32> to vector<2048x50xf32>
    %reduce_max3A_49 = arith.constant dense<0xFF800000> : vector<2048xf32>
    %reduce_max3A_50 = vector.multi_reduction <maximumf>, %slice3A_48, %reduce_max3A_49 [1] : vector<2048x50xf32> to vector<2048xf32>
    %broadcast_in_dim3A_51 = vector.shape_cast %reduce_max3A_50 : vector<2048xf32> to vector<2048x1xf32>
    %squeeze3A = vector.shape_cast %broadcast_in_dim3A_51 : vector<2048x1xf32> to vector<2048xf32>
    %swap3A_52 = arith.constant 0 : index
    %swap3A_53 = vector.load %arg4[%swap3A_52] : memref<2048xf32, #tpu.memory_space<vmem>>, vector<2048xf32>
    tpu.vector_store %arg4[%swap3A_52], %squeeze3A {strides = array<i32>} : memref<2048xf32, #tpu.memory_space<vmem>>, vector<2048xf32>,
    %iota3A = tpu.iota {dimensions = array<i32: 1>} : vector<2048x50xi32>
    %ge3A = vector.broadcast %broadcast_in_dim3A_51 : vector<2048x1xf32> to vector<2048x50xf32>
    %ge3A_54 = arith.cmpf oge, %slice3A_48, %ge3A : vector<2048x50xf32>
    %jit3A = arith.constant 1073741824 : i32
    %broadcast_in_dim3A_55 = vector.broadcast %jit3A : i32 to vector<2048x50xi32>
    %select_n3A = arith.select %ge3A_54, %iota3A, %broadcast_in_dim3A_55 : vector<2048x50xi1>, vector<2048x50xi32>
    %reduce_min3A = arith.constant dense<2147483647> : vector<2048xi32>
    %reduce_min3A_56 = vector.multi_reduction <minsi>, %select_n3A, %reduce_min3A [1] : vector<2048x50xi32> to vector<2048xi32>
    %swap3A_57 = arith.constant 0 : index
    %swap3A_58 = vector.load %arg5[%swap3A_57] : memref<2048xi32, #tpu.memory_space<vmem>>, vector<2048xi32>
    tpu.vector_store %arg5[%swap3A_57], %reduce_min3A_56 {strides = array<i32>} : memref<2048xi32, #tpu.memory_space<vmem>>, vector<2048xi32>,
    %squeeze3A_59 = vector.shape_cast %get3A_30 : vector<2048x1xi32> to vector<2048xi32>
    %swap3A_60 = arith.constant 0 : index
    %swap3A_61 = vector.load %arg6[%swap3A_60] : memref<2048xi32, #tpu.memory_space<vmem>>, vector<2048xi32>
    tpu.vector_store %arg6[%swap3A_60], %squeeze3A_59 {strides = array<i32>} : memref<2048xi32, #tpu.memory_space<vmem>>, vector<2048xi32>,
    %squeeze3A_62 = vector.shape_cast %get3A_33 : vector<2048x1xi32> to vector<2048xi32>
    %swap3A_63 = arith.constant 0 : index
    %swap3A_64 = vector.load %arg7[%swap3A_63] : memref<2048xi32, #tpu.memory_space<vmem>>, vector<2048xi32>
    tpu.vector_store %arg7[%swap3A_63], %squeeze3A_62 {strides = array<i32>} : memref<2048xi32, #tpu.memory_space<vmem>>, vector<2048xi32>,
    return
  }
  func.func @transform_0(%arg0: i32) -> (i32, i32) {
    %c0_i32 = arith.constant 0 : i32
    %c0_i32_0 = arith.constant 0 : i32
    return %arg0, %c0_i32 : i32, i32
  }
  func.func @transform_1(%arg0: i32) -> (i32, i32) {
    %c0_i32 = arith.constant 0 : i32
    %c0_i32_0 = arith.constant 0 : i32
    return %arg0, %c0_i32 : i32, i32
  }
  func.func @transform_2(%arg0: i32) -> (i32, i32) {
    %c0_i32 = arith.constant 0 : i32
    %c0_i32_0 = arith.constant 0 : i32
    return %arg0, %c0_i32 : i32, i32
  }
  func.func @transform_3(%arg0: i32) -> i32 {
    %c0_i32 = arith.constant 0 : i32
    return %arg0 : i32
  }
  func.func @transform_4(%arg0: i32) -> i32 {
    %c0_i32 = arith.constant 0 : i32
    return %arg0 : i32
  }
  func.func @transform_5(%arg0: i32) -> i32 {
    %c0_i32 = arith.constant 0 : i32
    return %arg0 : i32
  }
  func.func @transform_6(%arg0: i32) -> i32 {
    %c0_i32 = arith.constant 0 : i32
    return %arg0 : i32
  }
}

module attributes {stable_mosaic.version = 14 : i64} {
  func.func @_sort_body(%arg0: i32, %arg1: memref<171xi32, #tpu.memory_space<smem>>, %arg2: memref<171xi32, #tpu.memory_space<smem>>, %arg3: memref<2048x128xi32, #tpu.memory_space<any>>, %arg4: memref<2048x128xi32, #tpu.memory_space<any>>, %arg5: memref<2048x128xi32, #tpu.memory_space<vmem>>, %arg6: memref<2048x128xi32, #tpu.memory_space<vmem>>, %arg7: memref<2048x128xi32, #tpu.memory_space<vmem>>, %arg8: memref<!tpu.dma_semaphore, #tpu.memory_space<semaphore_mem>>) attributes {dimension_semantics = [#tpu.dimension_semantics<arbitrary>], iteration_bounds = array<i64: 171>, scalar_prefetch = 0 : i64, scratch_operands = 4 : i64, tpu.core_type = #tpu.core_type<tc>, window_params = [{transform_indices = @transform_0, window_bounds = array<i64: 171>}, {transform_indices = @transform_1, window_bounds = array<i64: 171>}, {}, {}]} {
    %eq3A = arith.constant 0 : i32
    %eq3A_0 = arith.cmpi eq, %arg0, %eq3A : i32
    %convert_element_type3A = arith.extui %eq3A_0 : i1 to i32
    %cond3A = arith.constant 0 : i32
    %cond3A_1 = arith.cmpi ne, %convert_element_type3A, %cond3A : i32
    scf.if %cond3A_1 {
      tpu.enqueue_dma source(%arg3 : memref<2048x128xi32, #tpu.memory_space<any>>) target(%arg5 : memref<2048x128xi32, #tpu.memory_space<vmem>>) target_semaphore(%arg8 : memref<!tpu.dma_semaphore, #tpu.memory_space<semaphore_mem>>)
      %iota3A = tpu.iota {dimensions = array<i32: 0>} : vector<2048x128xi32>
      %mul3A = arith.constant 128 : i32
      %mul3A_48 = vector.broadcast %mul3A : i32 to vector<2048x128xi32>
      %mul3A_49 = arith.muli %iota3A, %mul3A_48 : vector<2048x128xi32>
      %iota3A_50 = tpu.iota {dimensions = array<i32: 1>} : vector<2048x128xi32>
      %add3A = arith.addi %mul3A_49, %iota3A_50 : vector<2048x128xi32>
      %swap3A_51 = arith.constant 0 : index
      %swap3A_52 = arith.constant 0 : index
      %swap3A_53 = vector.load %arg7[%swap3A_51, %swap3A_52] : memref<2048x128xi32, #tpu.memory_space<vmem>>, vector<2048x128xi32>
      tpu.vector_store %arg7[%swap3A_51, %swap3A_52], %add3A {strides = array<i32>} : memref<2048x128xi32, #tpu.memory_space<vmem>>, vector<2048x128xi32>,
      tpu.wait_dma2 semaphore(%arg8 : memref<!tpu.dma_semaphore, #tpu.memory_space<semaphore_mem>>) src(%arg3 : memref<2048x128xi32, #tpu.memory_space<any>>) dst(%arg5 : memref<2048x128xi32, #tpu.memory_space<vmem>>)
      %get3A_54 = arith.constant 0 : index
      %get3A_55 = arith.constant 0 : index
      %get3A_56 = vector.load %arg7[%get3A_54, %get3A_55] : memref<2048x128xi32, #tpu.memory_space<vmem>>, vector<2048x128xi32>
      %swap3A_57 = arith.constant 0 : index
      %swap3A_58 = arith.constant 0 : index
      %swap3A_59 = vector.load %arg6[%swap3A_57, %swap3A_58] : memref<2048x128xi32, #tpu.memory_space<vmem>>, vector<2048x128xi32>
      tpu.vector_store %arg6[%swap3A_57, %swap3A_58], %get3A_56 {strides = array<i32>} : memref<2048x128xi32, #tpu.memory_space<vmem>>, vector<2048x128xi32>,
    } else {
    }
    %get3A = arith.index_cast %arg0 : i32 to index
    %get3A_2 = memref.load %arg1[%get3A] : memref<171xi32, #tpu.memory_space<smem>>
    %get3A_3 = arith.index_cast %arg0 : i32 to index
    %get3A_4 = memref.load %arg2[%get3A_3] : memref<171xi32, #tpu.memory_space<smem>>
    %get3A_5 = arith.constant 0 : index
    %get3A_6 = arith.constant 0 : index
    %get3A_7 = vector.load %arg5[%get3A_5, %get3A_6] : memref<2048x128xi32, #tpu.memory_space<vmem>>, vector<2048x128xi32>
    %get3A_8 = arith.constant 0 : index
    %get3A_9 = arith.constant 0 : index
    %get3A_10 = vector.load %arg6[%get3A_8, %get3A_9] : memref<2048x128xi32, #tpu.memory_space<vmem>>, vector<2048x128xi32>
    %get3A_11 = arith.constant 0 : index
    %get3A_12 = arith.constant 0 : index
    %get3A_13 = vector.load %arg7[%get3A_11, %get3A_12] : memref<2048x128xi32, #tpu.memory_space<vmem>>, vector<2048x128xi32>
    %and3A = vector.broadcast %get3A_2 : i32 to vector<2048x128xi32>
    %and3A_14 = arith.andi %get3A_13, %and3A : vector<2048x128xi32>
    %eq3A_15 = arith.constant 0 : i32
    %eq3A_16 = vector.broadcast %eq3A_15 : i32 to vector<2048x128xi32>
    %eq3A_17 = arith.cmpi eq, %and3A_14, %eq3A_16 : vector<2048x128xi32>
    %and3A_18 = vector.broadcast %get3A_4 : i32 to vector<2048x128xi32>
    %and3A_19 = arith.andi %get3A_13, %and3A_18 : vector<2048x128xi32>
    %eq3A_20 = arith.constant 0 : i32
    %eq3A_21 = vector.broadcast %eq3A_20 : i32 to vector<2048x128xi32>
    %eq3A_22 = arith.cmpi eq, %and3A_19, %eq3A_21 : vector<2048x128xi32>
    %lt3A = arith.constant 128 : i32
    %lt3A_23 = arith.cmpi slt, %get3A_2, %lt3A : i32
    %convert_element_type3A_24 = arith.extui %lt3A_23 : i1 to i32
    %cond3A_25 = arith.constant 0 : i32
    %cond3A_26 = arith.cmpi ne, %convert_element_type3A_24, %cond3A_25 : i32
    %cond3A_27:2 = scf.if %cond3A_26 -> (vector<2048x128xi32>, vector<2048x128xi32>) {
      %sub3A = arith.constant 128 : i32
      %sub3A_48 = arith.subi %sub3A, %get3A_2 : i32
      %roll3A = tpu.dynamic_rotate %get3A_7 by %sub3A_48 dim 1 : vector<2048x128xi32>, i32 -> vector<2048x128xi32>
      %roll3A_49 = tpu.dynamic_rotate %get3A_7 by %get3A_2 dim 1 : vector<2048x128xi32>, i32 -> vector<2048x128xi32>
      %select_n3A_50 = arith.select %eq3A_17, %roll3A, %roll3A_49 : vector<2048x128xi1>, vector<2048x128xi32>
      %sub3A_51 = arith.constant 128 : i32
      %sub3A_52 = arith.subi %sub3A_51, %get3A_2 : i32
      %roll3A_53 = tpu.dynamic_rotate %get3A_10 by %sub3A_52 dim 1 : vector<2048x128xi32>, i32 -> vector<2048x128xi32>
      %roll3A_54 = tpu.dynamic_rotate %get3A_10 by %get3A_2 dim 1 : vector<2048x128xi32>, i32 -> vector<2048x128xi32>
      %select_n3A_55 = arith.select %eq3A_17, %roll3A_53, %roll3A_54 : vector<2048x128xi1>, vector<2048x128xi32>
      scf.yield %select_n3A_50, %select_n3A_55 : vector<2048x128xi32>, vector<2048x128xi32>
    } else {
      %jit3A = arith.constant 128 : i32
      %div3A = arith.divsi %get3A_2, %jit3A : i32
      %sign3A = arith.constant 0 : i32
      %sign3A_48 = arith.cmpi sgt, %get3A_2, %sign3A : i32
      %sign3A_49 = arith.extui %sign3A_48 : i1 to i32
      %sign3A_50 = arith.constant 0 : i32
      %sign3A_51 = arith.cmpi slt, %get3A_2, %sign3A_50 : i32
      %sign3A_52 = arith.extui %sign3A_51 : i1 to i32
      %sign3A_53 = arith.subi %sign3A_49, %sign3A_52 : i32
      %sign3A_54 = arith.constant 0 : i32
      %sign3A_55 = arith.cmpi sgt, %jit3A, %sign3A_54 : i32
      %sign3A_56 = arith.extui %sign3A_55 : i1 to i32
      %sign3A_57 = arith.constant 0 : i32
      %sign3A_58 = arith.cmpi slt, %jit3A, %sign3A_57 : i32
      %sign3A_59 = arith.extui %sign3A_58 : i1 to i32
      %sign3A_60 = arith.subi %sign3A_56, %sign3A_59 : i32
      %ne3A = arith.cmpi ne, %sign3A_53, %sign3A_60 : i32
      %rem3A = arith.remsi %get3A_2, %jit3A : i32
      %ne3A_61 = arith.constant 0 : i32
      %ne3A_62 = arith.cmpi ne, %rem3A, %ne3A_61 : i32
      %and3A_63 = arith.andi %ne3A, %ne3A_62 : i1
      %sub3A = arith.constant 1 : i32
      %sub3A_64 = arith.subi %div3A, %sub3A : i32
      %select_n3A_65 = arith.select %and3A_63, %sub3A_64, %div3A : i32
      %sub3A_66 = arith.constant 2048 : i32
      %sub3A_67 = arith.subi %sub3A_66, %select_n3A_65 : i32
      %roll3A = tpu.dynamic_rotate %get3A_7 by %sub3A_67 dim 0 : vector<2048x128xi32>, i32 -> vector<2048x128xi32>
      %roll3A_68 = tpu.dynamic_rotate %get3A_7 by %select_n3A_65 dim 0 : vector<2048x128xi32>, i32 -> vector<2048x128xi32>
      %select_n3A_69 = arith.select %eq3A_17, %roll3A, %roll3A_68 : vector<2048x128xi1>, vector<2048x128xi32>
      %sub3A_70 = arith.constant 2048 : i32
      %sub3A_71 = arith.subi %sub3A_70, %select_n3A_65 : i32
      %roll3A_72 = tpu.dynamic_rotate %get3A_10 by %sub3A_71 dim 0 : vector<2048x128xi32>, i32 -> vector<2048x128xi32>
      %roll3A_73 = tpu.dynamic_rotate %get3A_10 by %select_n3A_65 dim 0 : vector<2048x128xi32>, i32 -> vector<2048x128xi32>
      %select_n3A_74 = arith.select %eq3A_17, %roll3A_72, %roll3A_73 : vector<2048x128xi1>, vector<2048x128xi32>
      scf.yield %select_n3A_69, %select_n3A_74 : vector<2048x128xi32>, vector<2048x128xi32>
    }
    %gt3A = arith.cmpi sgt, %get3A_7, %cond3A_27#0 : vector<2048x128xi32>
    %eq3A_28 = arith.cmpi eq, %get3A_7, %cond3A_27#0 : vector<2048x128xi32>
    %lt3A_29 = arith.cmpi slt, %get3A_10, %cond3A_27#1 : vector<2048x128xi32>
    %and3A_30 = arith.andi %eq3A_28, %lt3A_29 : vector<2048x128xi1>
    %or3A = arith.ori %gt3A, %and3A_30 : vector<2048x128xi1>
    %eq3A_31 = arith.xori %eq3A_17, %eq3A_22 : vector<2048x128xi1>
    %eq3A_32 = arith.constant dense<true> : vector<2048x128xi1>
    %eq3A_33 = arith.xori %eq3A_31, %eq3A_32 : vector<2048x128xi1>
    %eq3A_34 = arith.xori %or3A, %eq3A_33 : vector<2048x128xi1>
    %eq3A_35 = arith.constant dense<true> : vector<2048x128xi1>
    %eq3A_36 = arith.xori %eq3A_34, %eq3A_35 : vector<2048x128xi1>
    %select_n3A = arith.select %eq3A_36, %get3A_7, %cond3A_27#0 : vector<2048x128xi1>, vector<2048x128xi32>
    %swap3A = arith.constant 0 : index
    %swap3A_37 = arith.constant 0 : index
    %swap3A_38 = vector.load %arg5[%swap3A, %swap3A_37] : memref<2048x128xi32, #tpu.memory_space<vmem>>, vector<2048x128xi32>
    tpu.vector_store %arg5[%swap3A, %swap3A_37], %select_n3A {strides = array<i32>} : memref<2048x128xi32, #tpu.memory_space<vmem>>, vector<2048x128xi32>,
    %select_n3A_39 = arith.select %eq3A_36, %get3A_10, %cond3A_27#1 : vector<2048x128xi1>, vector<2048x128xi32>
    %swap3A_40 = arith.constant 0 : index
    %swap3A_41 = arith.constant 0 : index
    %swap3A_42 = vector.load %arg6[%swap3A_40, %swap3A_41] : memref<2048x128xi32, #tpu.memory_space<vmem>>, vector<2048x128xi32>
    tpu.vector_store %arg6[%swap3A_40, %swap3A_41], %select_n3A_39 {strides = array<i32>} : memref<2048x128xi32, #tpu.memory_space<vmem>>, vector<2048x128xi32>,
    %eq3A_43 = arith.constant 170 : i32
    %eq3A_44 = arith.cmpi eq, %arg0, %eq3A_43 : i32
    %convert_element_type3A_45 = arith.extui %eq3A_44 : i1 to i32
    %cond3A_46 = arith.constant 0 : i32
    %cond3A_47 = arith.cmpi ne, %convert_element_type3A_45, %cond3A_46 : i32
    scf.if %cond3A_47 {
      tpu.enqueue_dma source(%arg6 : memref<2048x128xi32, #tpu.memory_space<vmem>>) target(%arg4 : memref<2048x128xi32, #tpu.memory_space<any>>) target_semaphore(%arg8 : memref<!tpu.dma_semaphore, #tpu.memory_space<semaphore_mem>>)
      tpu.wait_dma2 semaphore(%arg8 : memref<!tpu.dma_semaphore, #tpu.memory_space<semaphore_mem>>) src(%arg6 : memref<2048x128xi32, #tpu.memory_space<vmem>>) dst(%arg4 : memref<2048x128xi32, #tpu.memory_space<any>>)
    } else {
    }
    return
  }
  func.func @transform_0(%arg0: i32) -> i32 {
    %c0_i32 = arith.constant 0 : i32
    %c0_i32_0 = arith.constant 0 : i32
    return %c0_i32 : i32
  }
  func.func @transform_1(%arg0: i32) -> i32 {
    %c0_i32 = arith.constant 0 : i32
    %c0_i32_0 = arith.constant 0 : i32
    return %c0_i32 : i32
  }
}

module attributes {stable_mosaic.version = 14 : i64} {
  func.func @_unpack_body(%arg0: i32, %arg1: memref<4096x128xf32, #tpu.memory_space<vmem>>, %arg2: memref<4096x51xf32, #tpu.memory_space<vmem>>, %arg3: memref<4096x2xi32, #tpu.memory_space<vmem>>) attributes {dimension_semantics = [#tpu.dimension_semantics<arbitrary>], iteration_bounds = array<i64: 49>, scalar_prefetch = 0 : i64, scratch_operands = 0 : i64, tpu.core_type = #tpu.core_type<tc>, window_params = [{transform_indices = @transform_0, window_bounds = array<i64: 4096, 128>}, {transform_indices = @transform_1, window_bounds = array<i64: 4096, 51>}, {transform_indices = @transform_2, window_bounds = array<i64: 4096, 2>}]} {
    %get3A = arith.constant 0 : index
    %get3A_0 = arith.constant 0 : index
    %get3A_1 = vector.load %arg1[%get3A, %get3A_0] : memref<4096x128xf32, #tpu.memory_space<vmem>>, vector<4096x128xf32>
    %slice3A = vector.extract_strided_slice %get3A_1 {offsets = [0, 0], sizes = [4096, 51], strides = [1, 1]} : vector<4096x128xf32> to vector<4096x51xf32>
    %swap3A = arith.constant 0 : index
    %swap3A_2 = arith.constant 0 : index
    %swap3A_3 = vector.load %arg2[%swap3A, %swap3A_2] : memref<4096x51xf32, #tpu.memory_space<vmem>>, vector<4096x51xf32>
    tpu.vector_store %arg2[%swap3A, %swap3A_2], %slice3A {strides = array<i32>} : memref<4096x51xf32, #tpu.memory_space<vmem>>, vector<4096x51xf32>,
    %slice3A_4 = vector.extract_strided_slice %get3A_1 {offsets = [0, 51], sizes = [4096, 2], strides = [1, 1]} : vector<4096x128xf32> to vector<4096x2xf32>
    %bitcast_convert_type3A = tpu.bitcast %slice3A_4 : vector<4096x2xf32> -> vector<4096x2xi32>
    %swap3A_5 = arith.constant 0 : index
    %swap3A_6 = arith.constant 0 : index
    %swap3A_7 = vector.load %arg3[%swap3A_5, %swap3A_6] : memref<4096x2xi32, #tpu.memory_space<vmem>>, vector<4096x2xi32>
    tpu.vector_store %arg3[%swap3A_5, %swap3A_6], %bitcast_convert_type3A {strides = array<i32>} : memref<4096x2xi32, #tpu.memory_space<vmem>>, vector<4096x2xi32>,
    return
  }
  func.func @transform_0(%arg0: i32) -> (i32, i32) {
    %c0_i32 = arith.constant 0 : i32
    %c0_i32_0 = arith.constant 0 : i32
    return %arg0, %c0_i32 : i32, i32
  }
  func.func @transform_1(%arg0: i32) -> (i32, i32) {
    %c0_i32 = arith.constant 0 : i32
    %c0_i32_0 = arith.constant 0 : i32
    return %arg0, %c0_i32 : i32, i32
  }
  func.func @transform_2(%arg0: i32) -> (i32, i32) {
    %c0_i32 = arith.constant 0 : i32
    %c0_i32_0 = arith.constant 0 : i32
    return %arg0, %c0_i32 : i32, i32
  }
}

</mosaic_0001>

<sc_bundles>
// kernel: kernel.11.cloned.1.call-start
scs
__scs_entry_jumppad:
0x0: {  	(pc) =	sbr.rel $0x88, $3  }
0x1: {  	(tag) =	ssettag $0x0;
	lr =	simm.s32 $0x1  }
0x2: {  	[smem:$0x3F9D] =	sst lr;
	_ =	strace $0xD0000000  }
0x3: {  	_ = 	snop  }
0x4: {  	_ = 	snop  }
0x5: {  	_ = 	snop  }
0x6: {  	_ = 	snop  }
0x7: {  	_ = 	snop  }
__scs_overlays_trampoline_lowered:
0x8: {  	[smem:$0x3FAC] =	sst s0  }
0x9: {  	[smem:$0x3FAD] =	sst s1  }
0xa: {  	[smem:$0x3FAE] =	sst s2  }
0xb: {  	[smem:$0x3FAF] =	sst s3  }
0xc: {  	[smem:$0x3FB0] =	sst s4  }
0xd: {  	[smem:$0x3FB1] =	sst s5  }
0xe: {  	[smem:$0x3FB2] =	sst s6  }
0xf: {  	[smem:$0x3FB3] =	sst s7  }
0x10: {  	[smem:$0x3FB4] =	sst s8  }
0x11: {  	[smem:$0x3FB5] =	sst s9;
	s0 =	simm.s32 @!p0 $0x0  }
0x12: {  	s1 =	sld [smem:$0x3F9B];
	s0 =	simm.s32 @p0 $0x1  }
0x13: {  	[smem:$0x3FB6] =	sst s0;
	s0 =	simm.s32 @!p1 $0x0  }
0x14: {  	s2 =	sld [smem:$0x3F9A];
	s0 =	simm.s32 @p1 $0x1  }
0x15: {  	[smem:$0x3FB7] =	sst s0;
	s0 =	simm.s32 @!p2 $0x0  }
0x16: {  	s3 =	sld [smem:$0x3FDB];
	s0 =	simm.s32 @p2 $0x1  }
0x17: {  	s4 =	simm.s32 $0x1BF5;
	[smem:$0x3FB9] =	sst s0  }
0x18: {  	s0 =	sld [smem:$0x3F9C];
	_ =	swait.ge [sflag:s4], $0x0  }
0x19: {  	s7 =	sld [smem:$0x3F9D]  }
0x1a: {  	s8 =	sadd.s32 $0xFFFFE003, lr  }
0x1b: {  	s9 =	sadd.s32 $0xFFFFFEF7, lr;
	s5 =	simm.s32 $0xFFFFFFFF;
	p2 =	slt.u32 s8, $0xFFFFF086  }
0x1c: {  	p1 =	slt.u32 s9, $0xF7A;
	s5 =	simm.s32 @!p2 $0x0  }
0x1d: {  	s5 =	simm.s32 @p1 $0x1;
	p0 =	seq.s32 s7, s2  }
0x1e: {  	s7 =	smul.u32 @!p0 $0xF7A, s2;
	p2 =	seq.s32 @!p0 s5, $0x0  }
0x1f: {  	s9 =	smul.u32 $0xF7A, s1;
	s8 =	simm.s32 @!p0 $0x1BF5;
	p2 =	por !p2, p0  }
0x20: {  	[sflag:s8] =	ssyncset.s32 @!p0 $0xFFFFF086;
	s6 =	sadd.s32 @!p0 s3, s7;
	s7 =	simm.s32 @!p0 $0x108  }
0x21: {  	s3 =	sadd.s32 s3, s9;
	s6 =	sadd.s32 @!p0 $0x88, s6;
	s7 =	simm.s32 @p2 $0x1082  }
0x22: {  	[simem:s7], [sflag:s8] =	dma.local @!p0 [hbm:s6], $0xF7A  }
0x23: {  	s9 =	sor.u32 $0xD0000000, s2;
	s6 =	simm.s32 $0x108;
	_ =	swait.ge @!p0 [sflag:s8], $0x0  }
0x24: {  	s3 =	sadd.s32 $0x88, s3;
	s6 =	simm.s32 @!p1 $0x1082;
	[sflag:s4] =	ssyncset.s32 $0xFFFFF086  }
0x25: {  	[simem:s6], [sflag:s4] =	dma.local [hbm:s3], $0xF7A  }
0x26: {  	[smem:$0x3F9D] =	sst s1;
	(tag) =	ssettag s2;
	_ =	strace s9  }
0x27: {  	s1 =	sld [smem:$0x3FAD]  }
0x28: {  	s2 =	sld [smem:$0x3FAE]  }
0x29: {  	s4 =	sld [smem:$0x3FB0]  }
0x2a: {  	p0 =	seq.s32 s5, $0x0;
	s5 =	sld [smem:$0x3FB1]  }
0x2b: {  	s6 =	sld [smem:$0x3FB2]  }
0x2c: {  	s7 =	sld [smem:$0x3FB3]  }
0x2d: {  	s3 =	simm.s32 $0x108;
	s8 =	sld [smem:$0x3FB4]  }
0x2e: {  	s3 =	simm.s32 @!p0 $0x1082;
	s9 =	sld [smem:$0x3FB5]  }
0x2f: {  	lr =	sadd.s32 s0, s3;
	s0 =	sld [smem:$0x3FAC]  }
0x30: {  	s3 =	sld [smem:$0x3FAF]  }
0x31: {  	[smem:$0x3FB8] =	sst s10  }
0x32: {  	s10 =	sld [smem:$0x3FB6];
	_ =	sdelay $0x3  }
0x33: {  	p0 =	seq.s32 s10, $0x1;
	s10 =	sld [smem:$0x3FB8];
	_ =	sdelay $0x3  }
0x34: {  	[smem:$0x3FB8] =	sst s10  }
0x35: {  	s10 =	sld [smem:$0x3FB7];
	_ =	sdelay $0x3  }
0x36: {  	p1 =	seq.s32 s10, $0x1;
	s10 =	sld [smem:$0x3FB8];
	_ =	sdelay $0x3  }
0x37: {  	[smem:$0x3FB8] =	sst s10  }
0x38: {  	s10 =	sld [smem:$0x3FB9]  }
0x39: {  	_ = 	snop;
	(pc) =	sbr.ind lr, $3  }
0x3a: {  	_ = 	snop  }
0x3b: {  	_ = 	snop  }
0x3c: {  	p2 =	seq.s32 s10, $0x1;
	s10 =	sld [smem:$0x3FB8]  }
0x3d: {  	_ =	shalt  }
0x3e: {  	_ =	shalt  }
0x3f: {  	_ =	shalt  }
0x40: {  	_ =	shalt  }
0x41: {  	_ =	shalt  }
0x42: {  	_ =	shalt  }
0x43: {  	_ =	shalt  }
0x44: {  	_ =	shalt  }
0x45: {  	_ =	shalt  }
0x46: {  	_ =	shalt  }
0x47: {  	_ =	shalt  }
0x48: {  	_ =	shalt  }
0x49: {  	_ =	shalt  }
0x4a: {  	_ =	shalt  }
0x4b: {  	_ =	shalt  }
0x4c: {  	_ =	shalt  }
0x4d: {  	_ =	shalt  }
0x4e: {  	_ =	shalt  }
0x4f: {  	_ =	shalt  }
0x50: {  	_ =	shalt  }
0x51: {  	_ =	shalt  }
0x52: {  	_ =	shalt  }
0x53: {  	_ =	shalt  }
0x54: {  	_ =	shalt  }
0x55: {  	_ =	shalt  }
0x56: {  	_ =	shalt  }
0x57: {  	_ =	shalt  }
0x58: {  	_ =	shalt  }
0x59: {  	_ =	shalt  }
0x5a: {  	_ =	shalt  }
0x5b: {  	_ =	shalt  }
0x5c: {  	_ =	shalt  }
0x5d: {  	_ =	shalt  }
0x5e: {  	_ =	shalt  }
0x5f: {  	_ =	shalt  }
0x60: {  	_ =	shalt  }
0x61: {  	_ =	shalt  }
0x62: {  	_ =	shalt  }
0x63: {  	_ =	shalt  }
0x64: {  	_ =	shalt  }
0x65: {  	_ =	shalt  }
0x66: {  	_ =	shalt  }
0x67: {  	_ =	shalt  }
0x68: {  	_ =	shalt  }
0x69: {  	_ =	shalt  }
0x6a: {  	_ =	shalt  }
0x6b: {  	_ =	shalt  }
0x6c: {  	_ =	shalt  }
0x6d: {  	_ =	shalt  }
0x6e: {  	_ =	shalt  }
0x6f: {  	_ =	shalt  }
0x70: {  	_ =	shalt  }
0x71: {  	_ =	shalt  }
0x72: {  	_ =	shalt  }
0x73: {  	_ =	shalt  }
0x74: {  	_ =	shalt  }
0x75: {  	_ =	shalt  }
0x76: {  	_ =	shalt  }
0x77: {  	_ =	shalt  }
0x78: {  	_ =	shalt  }
0x79: {  	_ =	shalt  }
0x7a: {  	_ =	shalt  }
0x7b: {  	_ =	shalt  }
0x7c: {  	_ =	shalt  }
0x7d: {  	_ =	shalt  }
0x7e: {  	_ =	shalt  }
0x7f: {  	_ =	shalt  }
0x80: {  	_ =	shalt  }
0x81: {  	_ =	shalt  }
0x82: {  	_ =	shalt  }
0x83: {  	_ =	shalt  }
0x84: {  	_ =	shalt  }
0x85: {  	_ =	shalt  }
0x86: {  	_ =	shalt  }
0x87: {  	_ =	shalt  }
.Lfunc_end0:
.L_simem_size_0:
called_computation.1_lowered:
.L_overlay_start_0:
0x88: {  	s2 =	sld [smem:$0x3FD9]  }
0x89: {  	s3 =	sld [smem:$0x3FFE];
	_ =	sdelay $0x1  }
0x8a: {  	s1 =	srdreg.scid  }
0x8b: {  	s0 =	sand.u32 $0x1, s1  }
0x8c: {  	s14 =	sshll.u32 s0, $0xA;
	s2 =	sadd.s32 s3, s2  }
0x8d: {  	s2 =	sadd.s32 s2, s14  }
0x8e: {  	[smem:$0x3FC4] =	sst s2  }
0x8f: {  	_ = 	snop  }
0x90: {  	s2 =	sld [smem:$0x3FD0];
	_ =	sdelay $0x2  }
0x91: {  	s15 =	simm.s32 $0xA;
	s4 =	simm.s32 $0x10  }
0x92: {  	[smem:s4], [sflag:s15] =	dma.local [hbm:s2], $0x1  }
0x93: {  	_ =	swait.eq [sflag:s15], $0x1  }
0x94: {  	[sflag:s15] =	ssyncset.done $0x0  }
0x95: {  	s16 =	sld [smem:$0x14];
	[sflag:s15] =	ssyncadd.s32 $0xFFFFFFFF  }
0x96: {  	s17 =	sld [smem:$0x16];
	(tm) =	ssettm $0x1  }
0x97: {  	s18 =	sld [smem:$0x3FFB];
	_ =	sdelay $0x3  }
0x98: {  	_ =	strace s18  }
0x99: {  	s4 =	sld [smem:$0x3FFC];
	_ =	sdelay $0x3  }
0x9a: {  	_ =	strace s4  }
0x9b: {  	s4 =	sld [smem:$0x3FFD];
	_ =	sdelay $0x3  }
0x9c: {  	_ =	strace s4  }
0x9d: {  	_ =	strace $0x8FFFFFFF  }
0x9e: {  	s19 =	sld [smem:$0x3FDB];
	_ =	sdelay $0x1  }
0x9f: {  	s5 =	simm.s32 $_scs_section_size  }
0xa0: {  	s6 =	simm.s32 $_size__tile_overlayer_lowered;
	s7 =	simm.s32 $_tile_overlayer_lowered  }
0xa1: {  	s22 =	simm.s32 $0x1BFF;
	s21 =	sshll.u32 s7, $0x1;
	s4 =	sadd.s32 s5, s19  }
0xa2: {  	s8 =	simm.s32 $0x0;
	s20 =	sshll.u32 s6, $0x1;
	s6 =	sadd.s32 s21, s4  }
0xa3: {  	[timem:s8], [sflag:s22] =	dma.local [hbm:s6], s20  }
0xa4: {  	_ =	swait.ge [sflag:s22], s20  }
0xa5: {  	s5 =	ssub.s32 $0x0, s20;
	[sflag:s22] =	ssyncset.done $0x0  }
0xa6: {  	[sflag:s22] =	ssyncadd.s32 s5;
	_ =	sdelay $0x1  }
0xa7: {  	s23 =	simm.s32 $0x1B8B  }
0xa8: {  	_ =	swait.ge [sflag:s23], $0x1  }
0xa9: {  	[sflag:s23] =	ssyncset.done $0x0  }
0xaa: {  	s25 =	simm.s32 $0x1B8E;
	s24 =	sld [smem:$0x3FFE];
	[sflag:s23] =	ssyncadd.s32 $0xFFFFFFFF  }
0xab: {  	s26 =	simm.s32 $execute0_lowered;
	[smem:$0x3FD2] =	sst s25  }
0xac: {  	s6 =	sshll.u32 s26, $0x1;
	_ =	strace $0x80000049;
	[dreg:$0x1] =	wrdreg $0xFFFFFFFF  }
0xad: {  	s28 =	simm.s32 $_size_execute0_lowered;
	s4 =	sadd.s32 s4, s6;
	[dreg:$0x0] =	wrdreg $0x0  }
0xae: {  	s6 =	sshll.u32 s28, $0x1;
	[dreg:$0x2] =	wrdreg s4  }
0xaf: {  	[dreg:$0x3] =	wrdreg s6  }
0xb0: {  	[dreg:$0x4] =	wrdreg $0xC0  }
0xb1: {  	_ =	task [dreg:s8], $0x5FFFF  }
0xb2: {  	[dreg:$0x1] =	wrdreg $0xFFFFFFFF  }
0xb3: {  	[dreg:$0x0] =	wrdreg $0x60  }
0xb4: {  	[dreg:$0x2] =	wrdreg s16  }
0xb5: {  	[dreg:$0x3] =	wrdreg s24  }
0xb6: {  	[dreg:$0x4] =	wrdreg s17  }
0xb7: {  	[dreg:$0x5] =	wrdreg $0x9  }
0xb8: {  	_ =	task.clear_ibuf [dreg:s8], $0x6FFFF;
	_ =	strace $0x90000049  }
0xb9: {  	s29 =	simm.s32 $0x9;
	_ =	strace $0x8000004B  }
0xba: {  	_ =	swait.ge [sflag:s29], $0x1  }
0xbb: {  	[sflag:s29] =	ssyncadd.s32 $0xFFFFFFFF  }
0xbc: {  	_ =	strace $0x9000004B  }
0xbd: {  	_ =	sfence  }
0xbe: {  	s30 =	sld [smem:$0x0];
	_ =	sdelay $0x2  }
0xbf: {  	s31 =	sshll.u32 s1, $0xD;
	s1 =	sshrl.u32 s1, $0x2  }
0xc0: {  	s3 =	sand.u32 $0x4000, s31;
	s1 =	sadd.s32 s1, s30  }
0xc1: {  	s0 =	sor.u32 s3, s0;
	s1 =	sshll.u32 s1, $0x11  }
0xc2: {  	s0 =	sor.u32 s1, s0  }
0xc3: {  	s0 =	sadd.s32 $0x8F2B, s0  }
0xc4: {  	[sflag:s0] =	ssyncadd.remote.s32 $0x1  }
0xc5: {  	_ =	sfence.sel $0xFFFF  }
0xc6: {  	[dreg:$0x0] =	wrdreg $0xFFFFFFFF;
	(pc) =	sbr.abs _section_cstart, $3  }
0xc7: {  	[dreg:$0x1] =	wrdreg $0xFFFFFFFF  }
0xc8: {  	_ =	task.clear_ibuf [dreg:s8], $0x2FFFF;
	_ =	strace $0x9FFFFFFF  }
0xc9: {  	(tm) =	ssettm $0x7FFFFFFF  }
tec
execute0_lowered:
.L_overlay_start_1:
0x0: {  	(tag) =	ssettag $0x1  }
0x1: {  	s5 =	rddreg [dreg:$0x0]  }
0x2: {  	s6 =	rddreg [dreg:$0x1]  }
0x3: {  	s8 =	rddreg [dreg:$0x2]  }
0x4: {  	s0 =	rddreg [dreg:$0x3]  }
0x5: {  	s1 =	stileid.u32;
	s3 =	srdreg.scid;
	s2 =	simm.s32 $0x0  }
0x6: {  	s14 =	simm.s32 $0x2;
	s15 =	simm.s32 $0x0;
	s9 =	smul.u32 $0x31000, s1  }
0x7: {  	s7 =	sand.u32 $0x1, s3;
	s28 =	sshll.u32 s1, $0x1;
	s11 =	smul.u32 $0x3100, s1  }
0x8: {  	[smem:$0x7FF] =	sst s2;
	s4 =	sadd.s32 $0x3400, s6;
	s13 =	smul.u32 $0x1880, s7  }
0x9: {  	s3 =	sor.u32 s7, s28;
	s12 =	ssub.s32 $0x2, s7;
	s7 =	smul.u32 $0x18800, s7  }
0xa: {  	_ =	strace $0x8000004A;
	s10 =	smul.u32 $0x380, s3;
	s29 =	sshrl.u32 s12, $0x1  }
0xb: {  	s3 =	sadd.s32 $0x61DC00, s6;
	s9 =	sadd.s32 s9, s6;
	s6 =	ssub.s32 s12, s29  }
0xc: {  	s30 =	sadd.s32 s13, s11;
	s7 =	sadd.s32 s7, s9;
	s9 =	simm.s32 $0x3  }
0xd: {  	s11 =	simm.s32 $0x1C00;
	s12 =	simm.s32 $0x5C00;
	s13 =	simm.s32 $0x1  }
0xe: {  	s5 =	sadd.s32 s5, s10;
	s6 =	smax.u32 s6, $0x1;
	s31 =	sshrl.u32 s30, $0x3  }
0xf: {  	s7 =	sadd.s32 $0x9600, s7;
	s10 =	simm.s32 $0x80;
	s8 =	sadd.s32 s31, s8  }
.LBB2_1:
0x10: {  	[tilespmem:s2], [sflag:$0x3] =	stream.linear.gather [hbm4b:s5+s2], $0x1C00, $0x38;
	[tilespmem:$0x5C80] =	vst v63  }
0x11: {  	_ =	swait.ge [sflag:s9], $0x1C00  }
0x12: {  	[sflag:s9] =	ssyncset.done $0x0  }
0x13: {  	[sflag:s9] =	ssyncadd.s32 $0xFFFFE400  }
0x14: {  	[tilespmem:s11], [sflag:$0x1] =	stream.indirect.gather [hbm4b:s3+s10], $0x80, s2, s10, $0xb8;
	[tilespmem:$0x5C80] =	vst v63  }
0x15: {  	_ = 	snop  }
0x16: {  	[tilespmem:s12], [sflag:$0x2] =	stream.indirect.gather [hbm4b:s4+s10], $0x1, s2, s10, $0xb8;
	[tilespmem:$0x5C80] =	vst v63  }
0x17: {  	_ =	swait.ge [sflag:s13], $0x4000  }
0x18: {  	[sflag:s13] =	ssyncset.done $0x0  }
0x19: {  	[sflag:s13] =	ssyncadd.s32 $0xFFFFC000  }
0x1a: {  	_ =	swait.ge [sflag:s14], $0x80  }
0x1b: {  	[sflag:s14] =	ssyncset.done $0x0  }
0x1c: {  	[sflag:s14] =	ssyncadd.s32 $0xFFFFFF80  }
0x1d: {  	[hbm4b:s7+s2] =	stream.linear.scatter [tilespmem:s11], [sflag:$0x3], $0x4000, $0x38;
	[tilespmem:$0x5C80] =	vst v63  }
0x1e: {  	_ =	swait.ge [sflag:s9], $0x4000  }
0x1f: {  	[sflag:s9] =	ssyncset.done $0x0  }
0x20: {  	s16 =	sadd.s32 $0x0, s8;
	[sflag:s9] =	ssyncadd.s32 $0xFFFFC000  }
0x21: {  	[hbm4b:s16+s2] =	stream.linear.scatter [tilespmem:s12], [sflag:$0x3], $0x80, $0x38;
	[tilespmem:$0x5C80] =	vst v63  }
0x22: {  	s17 =	simm.s32 $0x0;
	_ =	swait.ge [sflag:s9], $0x80  }
0x23: {  	s18 =	smov.u32 s7;
	s16 =	simm.s32 $0x10;
	[sflag:s9] =	ssyncset.done $0x0  }
.LBB2_2:
0x24: {  	[sflag:s9] =	ssyncadd.s32 $0xFFFFFF80;
	s17 =	sadd.s32 $0x80, s17;
	s18 =	sadd.s32 $0x800, s18  }
0x25: {  	[tilespmem:s11], [sflag:$0x1] =	stream.indirect.gather [hbm4b:s3+s10], $0x80, s17, s10, $0xb8;
	[tilespmem:$0x5C80] =	vst v63  }
0x26: {  	p0 =	sne.s32 s16, $0x300;
	s19 =	smov.u32 s16;
	s16 =	sadd.s32 $0x10, s16  }
0x27: {  	[tilespmem:s12], [sflag:$0x2] =	stream.indirect.gather [hbm4b:s4+s10], $0x1, s17, s10, $0xb8;
	[tilespmem:$0x5C80] =	vst v63  }
0x28: {  	_ =	swait.ge [sflag:s13], $0x4000  }
0x29: {  	[sflag:s13] =	ssyncset.done $0x0  }
0x2a: {  	[sflag:s13] =	ssyncadd.s32 $0xFFFFC000  }
0x2b: {  	_ =	swait.ge [sflag:s14], $0x80  }
0x2c: {  	[sflag:s14] =	ssyncset.done $0x0  }
0x2d: {  	[sflag:s14] =	ssyncadd.s32 $0xFFFFFF80  }
0x2e: {  	[hbm4b:s18+s2] =	stream.linear.scatter [tilespmem:s11], [sflag:$0x3], $0x4000, $0x38;
	[tilespmem:$0x5C80] =	vst v63  }
0x2f: {  	_ =	swait.ge [sflag:s9], $0x4000  }
.Ltmp0:
0x30: {  	[sflag:s9] =	ssyncset.done $0x0;
	(pc) =	sbr.rel @p0 .LBB2_2-.Ltmp0, $4  }
0x31: {  	s19 =	sadd.s32 s19, s8;
	[sflag:s9] =	ssyncadd.s32 $0xFFFFC000  }
0x32: {  	[hbm4b:s19+s2] =	stream.linear.scatter [tilespmem:s12], [sflag:$0x3], $0x80, $0x38;
	[tilespmem:$0x5C80] =	vst v63  }
0x33: {  	_ =	swait.ge [sflag:s9], $0x80  }
0x34: {  	[sflag:s9] =	ssyncset.done $0x0  }
0x35: {  	s15 =	sadd.s32 $0x1, s15  }
0x36: {  	p0 =	sne.s32 s15, s6  }
.Ltmp1:
0x37: {  	_ = 	snop;
	(pc) =	sbr.rel @p0 .LBB2_1-.Ltmp1, $2  }
0x38: {  	_ =	sdelay $0x2  }
0x39: {  	[sflag:s9] =	ssyncadd.s32 $0xFFFFFF80  }
0x3a: {  	_ =	sfence.sel $0x180000  }
0x3b: {  	[bflag:$0x0] =	sbarrier.arrive $0xFFFF  }
0x3c: {  	p0 =	sne.s32 s1, $0x0;
	_ =	strace $0x9000004A  }
0x3d: {  	s0 =	sadd.s32 @!p0 $0x100000, s0;
	[bflag:$0x2] =	sbarrier.arrive $0xFFFF  }
0x3e: {  	[sflag:s0] =	ssyncadd.tile.s32 @!p0 $0x1;
	_ =	shalt  }
.Lfunc_end2:
_tile_overlayer_lowered:
.L_overlay_start_2:
0x3f: {  	(tag) =	ssettag $0x2  }
0x40: {  	s0 =	rddreg [dreg:$0x0];
	s2 =	stileid.u32  }
0x41: {  	s1 =	rddreg [dreg:$0x1];
	p0 =	sne.s32 s2, $0x0  }
0x42: {  	s3 =	rddreg [dreg:$0x2];
	[bflag:$0x3] =	sbarrier.arrive $0xFFFF;
	s2 =	simm.s32 @!p0 $0x1C03  }
0x43: {  	[timem:s3], [sflag:s2] =	dma.local @!p0 [hbm:s0], s1  }
0x44: {  	s0 =	simm.s32 @!p0 $0x3  }
0x45: {  	_ =	swait.ge @!p0 [sflag:s0], s1  }
0x46: {  	s1 =	ssub.s32 @!p0 $0x0, s1;
	[sflag:s0] =	ssyncset.done @!p0 $0x0  }
0x47: {  	[sflag:s0] =	ssyncadd.s32 @!p0 s1  }
0x48: {  	[bflag:$0x3] =	sbarrier.arrive $0xFFFF  }
0x49: {  	_ =	shalt  }

// kernel: kernel.8.cloned.1.call-start
scs
__scs_entry_jumppad:
0x0: {  	(pc) =	sbr.rel $0x88, $3  }
0x1: {  	(tag) =	ssettag $0x0;
	lr =	simm.s32 $0x1  }
0x2: {  	[smem:$0x3F9D] =	sst lr;
	_ =	strace $0xD0000000  }
0x3: {  	_ = 	snop  }
0x4: {  	_ = 	snop  }
0x5: {  	_ = 	snop  }
0x6: {  	_ = 	snop  }
0x7: {  	_ = 	snop  }
__scs_overlays_trampoline_lowered:
0x8: {  	[smem:$0x3FAC] =	sst s0  }
0x9: {  	[smem:$0x3FAD] =	sst s1  }
0xa: {  	[smem:$0x3FAE] =	sst s2  }
0xb: {  	[smem:$0x3FAF] =	sst s3  }
0xc: {  	[smem:$0x3FB0] =	sst s4  }
0xd: {  	[smem:$0x3FB1] =	sst s5  }
0xe: {  	[smem:$0x3FB2] =	sst s6  }
0xf: {  	[smem:$0x3FB3] =	sst s7  }
0x10: {  	[smem:$0x3FB4] =	sst s8  }
0x11: {  	[smem:$0x3FB5] =	sst s9;
	s0 =	simm.s32 @!p0 $0x0  }
0x12: {  	s1 =	sld [smem:$0x3F9B];
	s0 =	simm.s32 @p0 $0x1  }
0x13: {  	[smem:$0x3FB6] =	sst s0;
	s0 =	simm.s32 @!p1 $0x0  }
0x14: {  	s2 =	sld [smem:$0x3F9A];
	s0 =	simm.s32 @p1 $0x1  }
0x15: {  	[smem:$0x3FB7] =	sst s0;
	s0 =	simm.s32 @!p2 $0x0  }
0x16: {  	s3 =	sld [smem:$0x3FDB];
	s0 =	simm.s32 @p2 $0x1  }
0x17: {  	s4 =	simm.s32 $0x1BF5;
	[smem:$0x3FB9] =	sst s0  }
0x18: {  	s0 =	sld [smem:$0x3F9C];
	_ =	swait.ge [sflag:s4], $0x0  }
0x19: {  	s7 =	sld [smem:$0x3F9D]  }
0x1a: {  	s8 =	sadd.s32 $0xFFFFE003, lr  }
0x1b: {  	s9 =	sadd.s32 $0xFFFFFEF7, lr;
	s5 =	simm.s32 $0xFFFFFFFF;
	p2 =	slt.u32 s8, $0xFFFFF086  }
0x1c: {  	p1 =	slt.u32 s9, $0xF7A;
	s5 =	simm.s32 @!p2 $0x0  }
0x1d: {  	s5 =	simm.s32 @p1 $0x1;
	p0 =	seq.s32 s7, s2  }
0x1e: {  	s7 =	smul.u32 @!p0 $0xF7A, s2;
	p2 =	seq.s32 @!p0 s5, $0x0  }
0x1f: {  	s9 =	smul.u32 $0xF7A, s1;
	s8 =	simm.s32 @!p0 $0x1BF5;
	p2 =	por !p2, p0  }
0x20: {  	[sflag:s8] =	ssyncset.s32 @!p0 $0xFFFFF086;
	s6 =	sadd.s32 @!p0 s3, s7;
	s7 =	simm.s32 @!p0 $0x108  }
0x21: {  	s3 =	sadd.s32 s3, s9;
	s6 =	sadd.s32 @!p0 $0x88, s6;
	s7 =	simm.s32 @p2 $0x1082  }
0x22: {  	[simem:s7], [sflag:s8] =	dma.local @!p0 [hbm:s6], $0xF7A  }
0x23: {  	s9 =	sor.u32 $0xD0000000, s2;
	s6 =	simm.s32 $0x108;
	_ =	swait.ge @!p0 [sflag:s8], $0x0  }
0x24: {  	s3 =	sadd.s32 $0x88, s3;
	s6 =	simm.s32 @!p1 $0x1082;
	[sflag:s4] =	ssyncset.s32 $0xFFFFF086  }
0x25: {  	[simem:s6], [sflag:s4] =	dma.local [hbm:s3], $0xF7A  }
0x26: {  	[smem:$0x3F9D] =	sst s1;
	(tag) =	ssettag s2;
	_ =	strace s9  }
0x27: {  	s1 =	sld [smem:$0x3FAD]  }
0x28: {  	s2 =	sld [smem:$0x3FAE]  }
0x29: {  	s4 =	sld [smem:$0x3FB0]  }
0x2a: {  	p0 =	seq.s32 s5, $0x0;
	s5 =	sld [smem:$0x3FB1]  }
0x2b: {  	s6 =	sld [smem:$0x3FB2]  }
0x2c: {  	s7 =	sld [smem:$0x3FB3]  }
0x2d: {  	s3 =	simm.s32 $0x108;
	s8 =	sld [smem:$0x3FB4]  }
0x2e: {  	s3 =	simm.s32 @!p0 $0x1082;
	s9 =	sld [smem:$0x3FB5]  }
0x2f: {  	lr =	sadd.s32 s0, s3;
	s0 =	sld [smem:$0x3FAC]  }
0x30: {  	s3 =	sld [smem:$0x3FAF]  }
0x31: {  	[smem:$0x3FB8] =	sst s10  }
0x32: {  	s10 =	sld [smem:$0x3FB6];
	_ =	sdelay $0x3  }
0x33: {  	p0 =	seq.s32 s10, $0x1;
	s10 =	sld [smem:$0x3FB8];
	_ =	sdelay $0x3  }
0x34: {  	[smem:$0x3FB8] =	sst s10  }
0x35: {  	s10 =	sld [smem:$0x3FB7];
	_ =	sdelay $0x3  }
0x36: {  	p1 =	seq.s32 s10, $0x1;
	s10 =	sld [smem:$0x3FB8];
	_ =	sdelay $0x3  }
0x37: {  	[smem:$0x3FB8] =	sst s10  }
0x38: {  	s10 =	sld [smem:$0x3FB9]  }
0x39: {  	_ = 	snop;
	(pc) =	sbr.ind lr, $3  }
0x3a: {  	_ = 	snop  }
0x3b: {  	_ = 	snop  }
0x3c: {  	p2 =	seq.s32 s10, $0x1;
	s10 =	sld [smem:$0x3FB8]  }
0x3d: {  	_ =	shalt  }
0x3e: {  	_ =	shalt  }
0x3f: {  	_ =	shalt  }
0x40: {  	_ =	shalt  }
0x41: {  	_ =	shalt  }
0x42: {  	_ =	shalt  }
0x43: {  	_ =	shalt  }
0x44: {  	_ =	shalt  }
0x45: {  	_ =	shalt  }
0x46: {  	_ =	shalt  }
0x47: {  	_ =	shalt  }
0x48: {  	_ =	shalt  }
0x49: {  	_ =	shalt  }
0x4a: {  	_ =	shalt  }
0x4b: {  	_ =	shalt  }
0x4c: {  	_ =	shalt  }
0x4d: {  	_ =	shalt  }
0x4e: {  	_ =	shalt  }
0x4f: {  	_ =	shalt  }
0x50: {  	_ =	shalt  }
0x51: {  	_ =	shalt  }
0x52: {  	_ =	shalt  }
0x53: {  	_ =	shalt  }
0x54: {  	_ =	shalt  }
0x55: {  	_ =	shalt  }
0x56: {  	_ =	shalt  }
0x57: {  	_ =	shalt  }
0x58: {  	_ =	shalt  }
0x59: {  	_ =	shalt  }
0x5a: {  	_ =	shalt  }
0x5b: {  	_ =	shalt  }
0x5c: {  	_ =	shalt  }
0x5d: {  	_ =	shalt  }
0x5e: {  	_ =	shalt  }
0x5f: {  	_ =	shalt  }
0x60: {  	_ =	shalt  }
0x61: {  	_ =	shalt  }
0x62: {  	_ =	shalt  }
0x63: {  	_ =	shalt  }
0x64: {  	_ =	shalt  }
0x65: {  	_ =	shalt  }
0x66: {  	_ =	shalt  }
0x67: {  	_ =	shalt  }
0x68: {  	_ =	shalt  }
0x69: {  	_ =	shalt  }
0x6a: {  	_ =	shalt  }
0x6b: {  	_ =	shalt  }
0x6c: {  	_ =	shalt  }
0x6d: {  	_ =	shalt  }
0x6e: {  	_ =	shalt  }
0x6f: {  	_ =	shalt  }
0x70: {  	_ =	shalt  }
0x71: {  	_ =	shalt  }
0x72: {  	_ =	shalt  }
0x73: {  	_ =	shalt  }
0x74: {  	_ =	shalt  }
0x75: {  	_ =	shalt  }
0x76: {  	_ =	shalt  }
0x77: {  	_ =	shalt  }
0x78: {  	_ =	shalt  }
0x79: {  	_ =	shalt  }
0x7a: {  	_ =	shalt  }
0x7b: {  	_ =	shalt  }
0x7c: {  	_ =	shalt  }
0x7d: {  	_ =	shalt  }
0x7e: {  	_ =	shalt  }
0x7f: {  	_ =	shalt  }
0x80: {  	_ =	shalt  }
0x81: {  	_ =	shalt  }
0x82: {  	_ =	shalt  }
0x83: {  	_ =	shalt  }
0x84: {  	_ =	shalt  }
0x85: {  	_ =	shalt  }
0x86: {  	_ =	shalt  }
0x87: {  	_ =	shalt  }
.Lfunc_end0:
.L_simem_size_0:
called_computation_lowered:
.L_overlay_start_0:
0x88: {  	s2 =	sld [smem:$0x3FD9]  }
0x89: {  	s3 =	sld [smem:$0x3FFE];
	_ =	sdelay $0x1  }
0x8a: {  	s1 =	srdreg.scid  }
0x8b: {  	s0 =	sand.u32 $0x1, s1  }
0x8c: {  	s14 =	sshll.u32 s0, $0xA;
	s2 =	sadd.s32 s3, s2  }
0x8d: {  	s2 =	sadd.s32 s2, s14  }
0x8e: {  	[smem:$0x3FC4] =	sst s2  }
0x8f: {  	_ = 	snop  }
0x90: {  	s2 =	sld [smem:$0x3FD0];
	_ =	sdelay $0x2  }
0x91: {  	s15 =	simm.s32 $0xA;
	s4 =	simm.s32 $0x10  }
0x92: {  	[smem:s4], [sflag:s15] =	dma.local [hbm:s2], $0x1  }
0x93: {  	_ =	swait.eq [sflag:s15], $0x1  }
0x94: {  	s16 =	sld [smem:$0x12]  }
0x95: {  	s17 =	sld [smem:$0x13];
	[sflag:s15] =	ssyncset.done $0x0  }
0x96: {  	s5 =	sld [smem:$0x14];
	[sflag:s15] =	ssyncadd.s32 $0xFFFFFFFF  }
0x97: {  	s18 =	sld [smem:$0x16];
	(tm) =	ssettm $0x1  }
0x98: {  	s6 =	sld [smem:$0x3FFB];
	_ =	sdelay $0x3  }
0x99: {  	_ =	strace s6  }
0x9a: {  	s6 =	sld [smem:$0x3FFC];
	_ =	sdelay $0x3  }
0x9b: {  	_ =	strace s6  }
0x9c: {  	s6 =	sld [smem:$0x3FFD];
	_ =	sdelay $0x3  }
0x9d: {  	_ =	strace s6  }
0x9e: {  	_ =	strace $0x8FFFFFFF  }
0x9f: {  	s19 =	sld [smem:$0x3FDB];
	_ =	sdelay $0x1  }
0xa0: {  	s7 =	simm.s32 $_scs_section_size  }
0xa1: {  	s8 =	simm.s32 $_size__tile_overlayer_lowered;
	s9 =	simm.s32 $_tile_overlayer_lowered  }
0xa2: {  	s22 =	simm.s32 $0x1BFF;
	s21 =	sshll.u32 s9, $0x1;
	s6 =	sadd.s32 s7, s19  }
0xa3: {  	s10 =	simm.s32 $0x0;
	s20 =	sshll.u32 s8, $0x1;
	s8 =	sadd.s32 s21, s6  }
0xa4: {  	[timem:s10], [sflag:s22] =	dma.local [hbm:s8], s20  }
0xa5: {  	_ =	swait.ge [sflag:s22], s20  }
0xa6: {  	s7 =	ssub.s32 $0x0, s20;
	[sflag:s22] =	ssyncset.done $0x0  }
0xa7: {  	[sflag:s22] =	ssyncadd.s32 s7;
	_ =	sdelay $0x1  }
0xa8: {  	s23 =	simm.s32 $0x1B8B  }
0xa9: {  	_ =	swait.ge [sflag:s23], $0x1  }
0xaa: {  	[sflag:s23] =	ssyncset.done $0x0  }
0xab: {  	s25 =	simm.s32 $0x1B8E;
	s24 =	sld [smem:$0x3FFE];
	[sflag:s23] =	ssyncadd.s32 $0xFFFFFFFF  }
0xac: {  	s26 =	simm.s32 $execute0_lowered;
	[smem:$0x3FD2] =	sst s25  }
0xad: {  	s8 =	sshll.u32 s26, $0x1;
	_ =	strace $0x80000046;
	[dreg:$0x1] =	wrdreg $0xFFFFFFFF  }
0xae: {  	s28 =	simm.s32 $_size_execute0_lowered;
	s6 =	sadd.s32 s6, s8;
	[dreg:$0x0] =	wrdreg $0x0  }
0xaf: {  	s8 =	sshll.u32 s28, $0x1;
	[dreg:$0x2] =	wrdreg s6  }
0xb0: {  	[dreg:$0x3] =	wrdreg s8  }
0xb1: {  	[dreg:$0x4] =	wrdreg $0xC0  }
0xb2: {  	_ =	task [dreg:s10], $0x5FFFF  }
0xb3: {  	[dreg:$0x1] =	wrdreg $0xFFFFFFFF  }
0xb4: {  	[dreg:$0x0] =	wrdreg $0x60  }
0xb5: {  	[dreg:$0x2] =	wrdreg s5  }
0xb6: {  	[dreg:$0x3] =	wrdreg s17  }
0xb7: {  	[dreg:$0x4] =	wrdreg s18  }
0xb8: {  	[dreg:$0x5] =	wrdreg s16  }
0xb9: {  	[dreg:$0x6] =	wrdreg s24  }
0xba: {  	[dreg:$0x7] =	wrdreg $0x9  }
0xbb: {  	_ =	task.clear_ibuf [dreg:s10], $0x8FFFF;
	_ =	strace $0x90000046  }
0xbc: {  	s29 =	simm.s32 $0x9;
	_ =	strace $0x80000048  }
0xbd: {  	_ =	swait.ge [sflag:s29], $0x1  }
0xbe: {  	[sflag:s29] =	ssyncadd.s32 $0xFFFFFFFF  }
0xbf: {  	_ =	strace $0x90000048  }
0xc0: {  	_ =	sfence  }
0xc1: {  	s30 =	sld [smem:$0x0];
	_ =	sdelay $0x2  }
0xc2: {  	s31 =	sshll.u32 s1, $0xD;
	s1 =	sshrl.u32 s1, $0x2  }
0xc3: {  	s3 =	sand.u32 $0x4000, s31;
	s1 =	sadd.s32 s1, s30  }
0xc4: {  	s0 =	sor.u32 s3, s0;
	s1 =	sshll.u32 s1, $0x11  }
0xc5: {  	s0 =	sor.u32 s1, s0  }
0xc6: {  	s0 =	sadd.s32 $0x8F2B, s0  }
0xc7: {  	[sflag:s0] =	ssyncadd.remote.s32 $0x1  }
0xc8: {  	_ =	sfence.sel $0xFFFF  }
0xc9: {  	[dreg:$0x0] =	wrdreg $0xFFFFFFFF;
	(pc) =	sbr.abs _section_cstart, $3  }
0xca: {  	[dreg:$0x1] =	wrdreg $0xFFFFFFFF  }
0xcb: {  	_ =	task.clear_ibuf [dreg:s10], $0x2FFFF;
	_ =	strace $0x9FFFFFFF  }
0xcc: {  	(tm) =	ssettm $0x7FFFFFFF  }
0xcd: {  	_ =	shalt  }
tec
execute0_lowered:
.L_overlay_start_1:
0x0: {  	(tag) =	ssettag $0x1  }
0x1: {  	s4 =	rddreg [dreg:$0x0]  }
0x2: {  	s5 =	rddreg [dreg:$0x1]  }
0x3: {  	s6 =	rddreg [dreg:$0x2]  }
0x4: {  	s2 =	rddreg [dreg:$0x3];
	s1 =	srdreg.scid  }
0x5: {  	s0 =	stileid.u32;
	s7 =	rddreg [dreg:$0x4];
	s12 =	simm.s32 $0x80  }
0x6: {  	s13 =	simm.s32 $0x5080;
	s14 =	simm.s32 $0x5100;
	s15 =	simm.s32 $0x1  }
0x7: {  	s16 =	simm.s32 $0x2;
	s8 =	sand.u32 $0x1, s1;
	s3 =	sshll.u32 s0, $0x1  }
0x8: {  	s17 =	simm.s32 $0x5180;
	s18 =	simm.s32 $0x0;
	s9 =	sor.u32 s8, s3  }
0x9: {  	s3 =	simm.s32 $0x0;
	s8 =	ssub.s32 $0x2, s8;
	s10 =	smul.u32 $0x310, s9  }
0xa: {  	[smem:$0x7FF] =	sst s3;
	s11 =	sshrl.u32 s8, $0x1;
	s9 =	smul.u32 $0x380, s9  }
0xb: {  	s1 =	rddreg [dreg:$0x5];
	_ =	strace $0x80000047;
	s8 =	ssub.s32 s8, s11  }
0xc: {  	s11 =	simm.s32 $0x3800;
	s7 =	sadd.s32 s10, s7;
	s4 =	sadd.s32 s4, s9  }
0xd: {  	s5 =	sadd.s32 s5, s9;
	s6 =	sadd.s32 s6, s10;
	s8 =	smax.u32 s8, $0x1  }
0xe: {  	s9 =	simm.s32 $0x3;
	s10 =	simm.s32 $0x1C00;
	s7 =	sadd.s32 $0x9600, s7  }
.LBB2_1:
0xf: {  	[tilespmem:s3], [sflag:$0x3] =	stream.linear.gather [hbm4b:s4+s3], $0x1C00, $0x38;
	[tilespmem:$0x6A00] =	vst v63  }
0x10: {  	_ =	swait.ge [sflag:s9], $0x1C00  }
0x11: {  	[sflag:s9] =	ssyncset.done $0x0  }
0x12: {  	[sflag:s9] =	ssyncadd.s32 $0xFFFFE400  }
0x13: {  	[tilespmem:s10], [sflag:$0x3] =	stream.linear.gather [hbm4b:s5+s3], $0x1C00, $0x38;
	[tilespmem:$0x6A00] =	vst v63  }
0x14: {  	_ =	swait.ge [sflag:s9], $0x1C00  }
0x15: {  	[sflag:s9] =	ssyncset.done $0x0  }
0x16: {  	[sflag:s9] =	ssyncadd.s32 $0xFFFFE400  }
0x17: {  	[tilespmem:s11], [sflag:$0x3] =	stream.linear.gather [hbm4b:s6+s3], $0x1880, $0x38;
	[tilespmem:$0x6A00] =	vst v63  }
0x18: {  	_ =	swait.ge [sflag:s9], $0x1880  }
0x19: {  	[sflag:s9] =	ssyncset.done $0x0  }
0x1a: {  	s19 =	simm.s32 $0x0;
	[sflag:s9] =	ssyncadd.s32 $0xFFFFE780  }
0x1b: {  	[tilespmem:s13], [sflag:$0x1] =	stream.indirect.gather [hbm4b:s2+s12], $0x1, s19, s12, $0xb8;
	[tilespmem:$0x6A00] =	vst v63  }
0x1c: {  	s20 =	simm.s32 $0x1C00  }
0x1d: {  	[tilespmem:s14], [sflag:$0x2] =	stream.indirect.gather [hbm4b:s2+s12], $0x1, s20, s12, $0xb8;
	[tilespmem:$0x6A00] =	vst v63  }
0x1e: {  	_ =	swait.ge [sflag:s15], $0x80  }
0x1f: {  	[sflag:s15] =	ssyncset.done $0x0  }
0x20: {  	[sflag:s15] =	ssyncadd.s32 $0xFFFFFF80  }
0x21: {  	_ =	swait.ge [sflag:s16], $0x80  }
0x22: {  	[sflag:s16] =	ssyncset.done $0x0  }
0x23: {  	[sflag:s16] =	ssyncadd.s32 $0xFFFFFF80  }
0x24: {  	v0 =	vld [tilespmem:s19+$0x3800]  }
0x25: {  	v1 =	vld [tilespmem:$0x5080];
	_ =	sdelay $0x1  }
0x26: {  	v2 =	vld [tilespmem:$0x5100];
	_ =	sdelay $0x2  }
0x27: {  	v0 =	vmul.f32 v1, v0;
	_ =	sdelay $0x1  }
0x28: {  	v0 =	vmul.f32 v2, v0;
	_ =	sdelay $0x1  }
0x29: {  	v3 =	vld [tilespmem:s19+$0x3810];
	[tilespmem:s19+$0x5180] =	vst v0  }
0x2a: {  	v0 =	vld [tilespmem:$0x5090];
	_ =	sdelay $0x1  }
0x2b: {  	v8 =	vld [tilespmem:$0x5110];
	_ =	sdelay $0x2  }
0x2c: {  	v0 =	vmul.f32 v0, v3;
	_ =	sdelay $0x1  }
0x2d: {  	v0 =	vmul.f32 v8, v0;
	_ =	sdelay $0x1  }
0x2e: {  	v4 =	vld [tilespmem:s19+$0x3820];
	[tilespmem:s19+$0x5190] =	vst v0  }
0x2f: {  	v0 =	vld [tilespmem:$0x50A0];
	_ =	sdelay $0x1  }
0x30: {  	v3 =	vld [tilespmem:$0x5120];
	_ =	sdelay $0x2  }
0x31: {  	v0 =	vmul.f32 v0, v4;
	_ =	sdelay $0x1  }
0x32: {  	v0 =	vmul.f32 v3, v0;
	_ =	sdelay $0x1  }
0x33: {  	v5 =	vld [tilespmem:s19+$0x3830];
	[tilespmem:s19+$0x51A0] =	vst v0  }
0x34: {  	v0 =	vld [tilespmem:$0x50B0];
	_ =	sdelay $0x1  }
0x35: {  	v3 =	vld [tilespmem:$0x5130];
	_ =	sdelay $0x2  }
0x36: {  	v0 =	vmul.f32 v0, v5;
	_ =	sdelay $0x1  }
0x37: {  	v0 =	vmul.f32 v3, v0;
	_ =	sdelay $0x1  }
0x38: {  	v1 =	vld [tilespmem:s19+$0x3840];
	[tilespmem:s19+$0x51B0] =	vst v0  }
0x39: {  	v0 =	vld [tilespmem:$0x50C0];
	_ =	sdelay $0x1  }
0x3a: {  	v3 =	vld [tilespmem:$0x5140];
	_ =	sdelay $0x2  }
0x3b: {  	v0 =	vmul.f32 v0, v1;
	_ =	sdelay $0x1  }
0x3c: {  	v0 =	vmul.f32 v3, v0;
	_ =	sdelay $0x1  }
0x3d: {  	v6 =	vld [tilespmem:s19+$0x3850];
	[tilespmem:s19+$0x51C0] =	vst v0  }
0x3e: {  	v0 =	vld [tilespmem:$0x50D0];
	_ =	sdelay $0x1  }
0x3f: {  	v1 =	vld [tilespmem:$0x5150];
	_ =	sdelay $0x2  }
0x40: {  	v0 =	vmul.f32 v0, v6;
	_ =	sdelay $0x1  }
0x41: {  	v0 =	vmul.f32 v1, v0;
	_ =	sdelay $0x1  }
0x42: {  	v2 =	vld [tilespmem:s19+$0x3860];
	[tilespmem:s19+$0x51D0] =	vst v0  }
0x43: {  	v0 =	vld [tilespmem:$0x50E0];
	_ =	sdelay $0x1  }
0x44: {  	v1 =	vld [tilespmem:$0x5160];
	_ =	sdelay $0x2  }
0x45: {  	v0 =	vmul.f32 v0, v2;
	_ =	sdelay $0x1  }
0x46: {  	v0 =	vmul.f32 v1, v0;
	_ =	sdelay $0x1  }
0x47: {  	v7 =	vld [tilespmem:s19+$0x3870];
	[tilespmem:s19+$0x51E0] =	vst v0  }
0x48: {  	v0 =	vld [tilespmem:$0x50F0];
	_ =	sdelay $0x1  }
0x49: {  	v1 =	vld [tilespmem:$0x5170];
	_ =	sdelay $0x2  }
0x4a: {  	v0 =	vmul.f32 v0, v7;
	_ =	sdelay $0x1  }
0x4b: {  	s20 =	simm.s32 $0x200;
	v0 =	vmul.f32 v1, v0  }
.LBB2_2:
0x4c: {  	p0 =	sne.s32 s20, $0x6000;
	s21 =	smov.u32 s20;
	s20 =	sadd.s32 $0x200, s20  }
0x4d: {  	[tilespmem:s19+$0x51F0] =	vst v0;
	s19 =	sshra.s32 s21, $0x2  }
0x4e: {  	[tilespmem:s13], [sflag:$0x1] =	stream.indirect.gather [hbm4b:s2+s12], $0x1, s19, s12, $0xb8;
	[tilespmem:$0x6A00] =	vst v63  }
0x4f: {  	s21 =	sadd.s32 $0x1C00, s19  }
0x50: {  	[tilespmem:s14], [sflag:$0x2] =	stream.indirect.gather [hbm4b:s2+s12], $0x1, s21, s12, $0xb8;
	[tilespmem:$0x6A00] =	vst v63  }
0x51: {  	_ =	swait.ge [sflag:s15], $0x80  }
0x52: {  	[sflag:s15] =	ssyncset.done $0x0  }
0x53: {  	[sflag:s15] =	ssyncadd.s32 $0xFFFFFF80  }
0x54: {  	_ =	swait.ge [sflag:s16], $0x80  }
0x55: {  	[sflag:s16] =	ssyncset.done $0x0  }
0x56: {  	[sflag:s16] =	ssyncadd.s32 $0xFFFFFF80  }
0x57: {  	v0 =	vld [tilespmem:s19+$0x3800]  }
0x58: {  	v1 =	vld [tilespmem:$0x5080]  }
0x59: {  	v2 =	vld [tilespmem:$0x5100]  }
0x5a: {  	v3 =	vld [tilespmem:s19+$0x3810]  }
0x5b: {  	v4 =	vld [tilespmem:s19+$0x3820]  }
0x5c: {  	v5 =	vld [tilespmem:s19+$0x3830]  }
0x5d: {  	v0 =	vmul.f32 v1, v0;
	v1 =	vld [tilespmem:s19+$0x3840]  }
0x5e: {  	v6 =	vld [tilespmem:s19+$0x3850]  }
0x5f: {  	v0 =	vmul.f32 v2, v0;
	v2 =	vld [tilespmem:s19+$0x3860]  }
0x60: {  	v7 =	vld [tilespmem:s19+$0x3870]  }
0x61: {  	[tilespmem:s19+$0x5180] =	vst v0  }
0x62: {  	v0 =	vld [tilespmem:$0x5090]  }
0x63: {  	v8 =	vld [tilespmem:$0x5110];
	_ =	sdelay $0x3  }
0x64: {  	v0 =	vmul.f32 v0, v3;
	_ =	sdelay $0x1  }
0x65: {  	v0 =	vmul.f32 v8, v0;
	_ =	sdelay $0x1  }
0x66: {  	[tilespmem:s19+$0x5190] =	vst v0  }
0x67: {  	v0 =	vld [tilespmem:$0x50A0]  }
0x68: {  	v3 =	vld [tilespmem:$0x5120];
	_ =	sdelay $0x3  }
0x69: {  	v0 =	vmul.f32 v0, v4;
	_ =	sdelay $0x1  }
0x6a: {  	v0 =	vmul.f32 v3, v0;
	_ =	sdelay $0x1  }
0x6b: {  	[tilespmem:s19+$0x51A0] =	vst v0  }
0x6c: {  	v0 =	vld [tilespmem:$0x50B0]  }
0x6d: {  	v3 =	vld [tilespmem:$0x5130];
	_ =	sdelay $0x3  }
0x6e: {  	v0 =	vmul.f32 v0, v5;
	_ =	sdelay $0x1  }
0x6f: {  	v0 =	vmul.f32 v3, v0;
	_ =	sdelay $0x1  }
0x70: {  	[tilespmem:s19+$0x51B0] =	vst v0  }
0x71: {  	v0 =	vld [tilespmem:$0x50C0]  }
0x72: {  	v3 =	vld [tilespmem:$0x5140];
	_ =	sdelay $0x3  }
0x73: {  	v0 =	vmul.f32 v0, v1;
	_ =	sdelay $0x1  }
0x74: {  	v0 =	vmul.f32 v3, v0;
	_ =	sdelay $0x1  }
0x75: {  	[tilespmem:s19+$0x51C0] =	vst v0  }
0x76: {  	v0 =	vld [tilespmem:$0x50D0]  }
0x77: {  	v1 =	vld [tilespmem:$0x5150];
	_ =	sdelay $0x3  }
0x78: {  	v0 =	vmul.f32 v0, v6;
	_ =	sdelay $0x1  }
0x79: {  	v0 =	vmul.f32 v1, v0;
	_ =	sdelay $0x1  }
0x7a: {  	[tilespmem:s19+$0x51D0] =	vst v0  }
0x7b: {  	v0 =	vld [tilespmem:$0x50E0]  }
0x7c: {  	v1 =	vld [tilespmem:$0x5160];
	_ =	sdelay $0x3  }
0x7d: {  	v0 =	vmul.f32 v0, v2;
	_ =	sdelay $0x1  }
0x7e: {  	v0 =	vmul.f32 v1, v0;
	_ =	sdelay $0x1  }
0x7f: {  	[tilespmem:s19+$0x51E0] =	vst v0  }
0x80: {  	v0 =	vld [tilespmem:$0x50F0]  }
0x81: {  	v1 =	vld [tilespmem:$0x5170];
	_ =	sdelay $0x1  }
.Ltmp0:
0x82: {  	(pc) =	sbr.rel @p0 .LBB2_2-.Ltmp0, $3  }
0x83: {  	_ = 	snop  }
0x84: {  	v0 =	vmul.f32 v0, v7;
	_ =	sdelay $0x1  }
0x85: {  	v0 =	vmul.f32 v1, v0  }
0x86: {  	s18 =	sadd.s32 $0x1, s18  }
0x87: {  	p0 =	sne.s32 s18, s8  }
.Ltmp1:
0x88: {  	[tilespmem:s19+$0x51F0] =	vst v0;
	(pc) =	sbr.rel @p0 .LBB2_1-.Ltmp1, $4  }
0x89: {  	[hbm4b:s7+s3] =	stream.linear.scatter [tilespmem:s17], [sflag:$0x3], $0x1880, $0x38;
	[tilespmem:$0x6A00] =	vst v63  }
0x8a: {  	_ =	swait.ge [sflag:s9], $0x1880  }
0x8b: {  	[sflag:s9] =	ssyncset.done $0x0  }
0x8c: {  	[sflag:s9] =	ssyncadd.s32 $0xFFFFE780  }
0x8d: {  	_ =	sfence.sel $0x180000  }
0x8e: {  	[bflag:$0x0] =	sbarrier.arrive $0xFFFF  }
0x8f: {  	p0 =	sne.s32 s0, $0x0;
	_ =	strace $0x90000047  }
0x90: {  	s0 =	sadd.s32 @!p0 $0x100000, s1;
	[bflag:$0x2] =	sbarrier.arrive $0xFFFF  }
0x91: {  	[sflag:s0] =	ssyncadd.tile.s32 @!p0 $0x1;
	_ =	shalt  }
.Lfunc_end2:
_tile_overlayer_lowered:
.L_overlay_start_2:
0x92: {  	(tag) =	ssettag $0x2  }
0x93: {  	s0 =	rddreg [dreg:$0x0];
	s2 =	stileid.u32  }
0x94: {  	s1 =	rddreg [dreg:$0x1];
	p0 =	sne.s32 s2, $0x0  }
0x95: {  	s3 =	rddreg [dreg:$0x2];
	[bflag:$0x3] =	sbarrier.arrive $0xFFFF;
	s2 =	simm.s32 @!p0 $0x1C03  }
0x96: {  	[timem:s3], [sflag:s2] =	dma.local @!p0 [hbm:s0], s1  }
0x97: {  	s0 =	simm.s32 @!p0 $0x3  }
0x98: {  	_ =	swait.ge @!p0 [sflag:s0], s1  }
0x99: {  	s1 =	ssub.s32 @!p0 $0x0, s1;
	[sflag:s0] =	ssyncset.done @!p0 $0x0  }
0x9a: {  	[sflag:s0] =	ssyncadd.s32 @!p0 s1  }
0x9b: {  	[bflag:$0x3] =	sbarrier.arrive $0xFFFF  }
0x9c: {  	_ =	shalt  }

</sc_bundles>
